<compile_context>
chip_gen: v7x
topology: tpu7x:2x2x1
jax: 0.10.2.dev20260603
libtpu: 0.0.44.dev20260713+nightly
codegen_flags: <defaults>
</compile_context>

<pallas_src>
import functools

import jax
import jax.numpy as jnp
from jax import lax
from jax.experimental import pallas as pl
from jax.experimental.pallas import tpu as pltpu
from jax.experimental.pallas import tpu_sc as plsc

_NUM_CORES = 2
_NUM_SUBCORES = 16
_NW = _NUM_CORES * _NUM_SUBCORES
_B, _T, _C = 16384, 200, 6
_TOKENS = _B * _T
_TH = _T // 8
_BH = _B // 128
_BPW = _BH // _NW
_PLANE = _TOKENS
_INW = _BPW * 8 * 128
_OUTW = _INW * 2
_TROW = _BH * 2 * 128
_TABLE = 2560
_NPAIR = (_TH + 1) // 2


def _make_gather():
    mesh = plsc.VectorSubcoreMesh(core_axis_name="c", subcore_axis_name="s")

    @functools.partial(
        pl.kernel,
        mesh=mesh,
        out_type=jax.ShapeDtypeStruct((_TOKENS * 2,), jnp.float32),
        scratch_types=[
            pltpu.VMEM((_TABLE,), jnp.float32),
            pltpu.VMEM((_INW,), jnp.int32),
            pltpu.VMEM((_INW,), jnp.int32),
            pltpu.VMEM((_INW,), jnp.int32),
            pltpu.VMEM((_INW,), jnp.int32),
            pltpu.VMEM((_OUTW,), jnp.float32),
            pltpu.VMEM((_OUTW,), jnp.float32),
            pltpu.SemaphoreType.DMA,
            pltpu.SemaphoreType.DMA,
            pltpu.SemaphoreType.DMA,
            pltpu.SemaphoreType.DMA,
        ],
        compiler_params=pltpu.CompilerParams(needs_layout_passes=False),
    )
    def k(
        table_hbm, q_hbm, out_hbm,
        table_v, xb0, xb1, yb0, yb1, ob0, ob1,
        si0, si1, so0, so1,
    ):
        wid = lax.axis_index("s") * _NUM_CORES + lax.axis_index("c")
        in0 = wid * _INW
        ob_off = wid * _BPW * 256
        pltpu.sync_copy(table_hbm, table_v)

        xbufs = (xb0, xb1)
        ybufs = (yb0, yb1)
        obufs = (ob0, ob1)
        sin = (si0, si1)
        sout = (so0, so1)

        def in_x(th, b):
            src = q_hbm.at[pl.ds(_PLANE + th * (_BH * 1024) + in0, _INW)]
            return pltpu.make_async_copy(src, xbufs[b], sin[b])

        def in_y(th, b):
            src = q_hbm.at[pl.ds(2 * _PLANE + th * (_BH * 1024) + in0, _INW)]
            return pltpu.make_async_copy(src, ybufs[b], sin[b])

        def out_copy(th, tl, b):
            dst = out_hbm.at[pl.ds((th * 8 + tl) * _TROW + ob_off, _BPW * 256)]
            return pltpu.make_async_copy(
                obufs[b].at[pl.ds(tl * _BPW * 256, _BPW * 256)], dst, sout[b]
            )

        in_x(0, 0).start()
        in_y(0, 0).start()
        in_x(1, 1).start()
        in_y(1, 1).start()

        def pair_body(pair, _):
            for b in range(2):
                th = pair * 2 + b

                @pl.when(th < _TH)
                def _():
                    in_x(th, b).wait()
                    in_y(th, b).wait()

                    @pl.when(pair > 0)
                    def _():
                        for tl in range(8):
                            out_copy(th - 2, tl, b).wait()

                    qx = xbufs[b]
                    qy = ybufs[b]
                    ob = obufs[b]

                    @plsc.parallel_loop(0, 256, unroll=4)
                    def _(i):
                        tl = i >> 5
                        bhl = (i >> 3) & (_BPW - 1)
                        g = i & 7
                        in_base = bhl * 1024 + tl * 128 + g * 16
                        out_base = tl * (_BPW * 256) + bhl * 256 + g * 16
                        xi = qx[pl.ds(in_base, 16)]
                        ob[pl.ds(out_base, 16)] = plsc.load_gather(table_v, [xi])
                        yi = qy[pl.ds(in_base, 16)]
                        ob[pl.ds(out_base + 128, 16)] = (
                            plsc.load_gather(table_v, [yi])
                        )

                    for tl in range(8):
                        out_copy(th, tl, b).start()

                    @pl.when(th + 2 < _TH)
                    def _():
                        in_x(th + 2, b).start()
                        in_y(th + 2, b).start()

            return ()

        lax.fori_loop(0, _NPAIR, pair_body, ())
        for tl in range(8):
            out_copy(_TH - 2, tl, 1).wait()
            out_copy(_TH - 1, tl, 0).wait()

    return k


_gather = _make_gather()


def kernel(token_centers_lookup, query_tokens):
    qp = jnp.transpose(query_tokens, (2, 1, 0))
    qp = qp.reshape(_C, _TH, 8, _BH, 128)
    qp = jnp.transpose(qp, (0, 1, 3, 2, 4))
    qp = qp.reshape(-1)
    out = _gather(token_centers_lookup, qp)
    o = out.reshape(_T, _BH, 2, 128)
    o = jnp.transpose(o, (1, 3, 0, 2))
    return o.reshape(_B, _T, 2)

# --- scband reference (transcript-rebuilt; emitter-appended) ---
"""Pipeline reference for scband-sensor-geometry-32856499815186 (READ-ONLY COPY).

The authoritative reference and input builder live on the scoring server;
editing this copy changes nothing except your own understanding.
"""

import jax, jax.numpy as jnp
import numpy as np

MODALITIES = [(0.2, 512), (0.5, 512), (1.0, 512), (2.0, 512), (10.0, 512)]

def _build_centers():
    total = sum(s for _, s in MODALITIES)
    centers = np.zeros(total, dtype=np.float32)
    start = 0
    for res, size in MODALITIES:
        pos_scaling = size * res
        centers[start:start + size] = np.linspace(-pos_scaling / 2.0 + res / 2.0, pos_scaling / 2.0 - res / 2.0, size, dtype=np.float32)
        start += size
    return jnp.asarray(centers)

def setup_inputs(seed: int = 0) -> dict:
    key = jax.random.key(seed)
    token_centers_lookup = _build_centers()
    query_tokens = jax.random.randint(key, (16384, 200, 6), 0, 2560)
    return {"token_centers_lookup": token_centers_lookup, "query_tokens": query_tokens}

def reference(token_centers_lookup, query_tokens):
    # SensorGeometry.get_token_centers: token index -> (x, y) meters via lookup table gather
    x_idx = query_tokens[..., 1]
    y_idx = query_tokens[..., 2]
    x_meters = jnp.take(token_centers_lookup, x_idx, axis=0)
    y_meters = jnp.take(token_centers_lookup, y_idx, axis=0)
    return jnp.stack([x_meters, y_meters], axis=-1)

if __name__ == "__main__":
    import jax
    _d = setup_inputs()
    print(jax.jit(kernel)(*tuple(_d.values())))

</pallas_src>

<mosaic_0001>
#map = affine_map<(d0, d1) -> (0)>
module attributes {stable_mosaic.version = 14 : i64} {
  func.func @k(%arg0: i32, %arg1: i32, %arg2: memref<2560xf32, #tpu.memory_space<hbm>>, %arg3: memref<19660800xi32, #tpu.memory_space<hbm>>, %arg4: memref<6553600xf32, #tpu.memory_space<hbm>>, %arg5: memref<2560xf32, #tpu.memory_space<vmem>>, %arg6: memref<4096xi32, #tpu.memory_space<vmem>>, %arg7: memref<4096xi32, #tpu.memory_space<vmem>>, %arg8: memref<4096xi32, #tpu.memory_space<vmem>>, %arg9: memref<4096xi32, #tpu.memory_space<vmem>>, %arg10: memref<8192xf32, #tpu.memory_space<vmem>>, %arg11: memref<8192xf32, #tpu.memory_space<vmem>>, %arg12: memref<!tpu.dma_semaphore, #tpu.memory_space<semaphore_mem>>, %arg13: memref<!tpu.dma_semaphore, #tpu.memory_space<semaphore_mem>>, %arg14: memref<!tpu.dma_semaphore, #tpu.memory_space<semaphore_mem>>, %arg15: memref<!tpu.dma_semaphore, #tpu.memory_space<semaphore_mem>>) attributes {dimension_semantics = [#tpu.dimension_semantics<core_parallel>, #tpu.dimension_semantics<subcore_parallel>], iteration_bounds = array<i64: 2, 16>, scalar_prefetch = 0 : i64, scratch_operands = 11 : i64, tpu.core_type = #tpu.core_type<sc_vector_subcore>, window_params = [{transform_indices = #map}, {transform_indices = #map}, {transform_indices = #map}]} {
    %mul3A = arith.constant 2 : i32
    %mul3A_0 = arith.muli %arg1, %mul3A : i32
    %add3A = arith.addi %mul3A_0, %arg0 : i32
    %mul3A_1 = arith.constant 4096 : i32
    %mul3A_2 = arith.muli %add3A, %mul3A_1 : i32
    %mul3A_3 = arith.constant 4 : i32
    %mul3A_4 = arith.muli %add3A, %mul3A_3 : i32
    %mul3A_5 = arith.constant 256 : i32
    %mul3A_6 = arith.muli %mul3A_4, %mul3A_5 : i32
    "tpu.region"() ({
      %run_scoped3A = tpu.sem_alloc : memref<!tpu.dma_semaphore, #tpu.memory_space<semaphore_mem>>
      tpu.enqueue_dma source(%arg2 : memref<2560xf32, #tpu.memory_space<hbm>>) target(%arg5 : memref<2560xf32, #tpu.memory_space<vmem>>) target_semaphore(%run_scoped3A : memref<!tpu.dma_semaphore, #tpu.memory_space<semaphore_mem>>)
      tpu.wait_dma2 semaphore(%run_scoped3A : memref<!tpu.dma_semaphore, #tpu.memory_space<semaphore_mem>>) src(%arg2 : memref<2560xf32, #tpu.memory_space<hbm>>) dst(%arg5 : memref<2560xf32, #tpu.memory_space<vmem>>)
      tpu.yield
    }) : () -> ()
    %add3A_7 = arith.constant 3276800 : i32
    %add3A_8 = arith.addi %add3A_7, %mul3A_2 : i32
    %dma_start3A = tpu.memref_slice %arg3[%add3A_8] : memref<19660800xi32, #tpu.memory_space<hbm>> -> memref<4096xi32, #tpu.memory_space<hbm>>
    %dma_start3A_9 = tpu.memref_slice %arg3[%add3A_8] : memref<19660800xi32, #tpu.memory_space<hbm>> -> memref<4096xi32, #tpu.memory_space<hbm>>
    tpu.enqueue_dma source(%dma_start3A_9 : memref<4096xi32, #tpu.memory_space<hbm>>) target(%arg6 : memref<4096xi32, #tpu.memory_space<vmem>>) target_semaphore(%arg12 : memref<!tpu.dma_semaphore, #tpu.memory_space<semaphore_mem>>)
    %add3A_10 = arith.constant 6553600 : i32
    %add3A_11 = arith.addi %add3A_10, %mul3A_2 : i32
    %dma_start3A_12 = tpu.memref_slice %arg3[%add3A_11] : memref<19660800xi32, #tpu.memory_space<hbm>> -> memref<4096xi32, #tpu.memory_space<hbm>>
    %dma_start3A_13 = tpu.memref_slice %arg3[%add3A_11] : memref<19660800xi32, #tpu.memory_space<hbm>> -> memref<4096xi32, #tpu.memory_space<hbm>>
    tpu.enqueue_dma source(%dma_start3A_13 : memref<4096xi32, #tpu.memory_space<hbm>>) target(%arg8 : memref<4096xi32, #tpu.memory_space<vmem>>) target_semaphore(%arg12 : memref<!tpu.dma_semaphore, #tpu.memory_space<semaphore_mem>>)
    %add3A_14 = arith.constant 3407872 : i32
    %add3A_15 = arith.addi %add3A_14, %mul3A_2 : i32
    %dma_start3A_16 = tpu.memref_slice %arg3[%add3A_15] : memref<19660800xi32, #tpu.memory_space<hbm>> -> memref<4096xi32, #tpu.memory_space<hbm>>
    %dma_start3A_17 = tpu.memref_slice %arg3[%add3A_15] : memref<19660800xi32, #tpu.memory_space<hbm>> -> memref<4096xi32, #tpu.memory_space<hbm>>
    tpu.enqueue_dma source(%dma_start3A_17 : memref<4096xi32, #tpu.memory_space<hbm>>) target(%arg7 : memref<4096xi32, #tpu.memory_space<vmem>>) target_semaphore(%arg13 : memref<!tpu.dma_semaphore, #tpu.memory_space<semaphore_mem>>)
    %add3A_18 = arith.constant 6684672 : i32
    %add3A_19 = arith.addi %add3A_18, %mul3A_2 : i32
    %dma_start3A_20 = tpu.memref_slice %arg3[%add3A_19] : memref<19660800xi32, #tpu.memory_space<hbm>> -> memref<4096xi32, #tpu.memory_space<hbm>>
    %dma_start3A_21 = tpu.memref_slice %arg3[%add3A_19] : memref<19660800xi32, #tpu.memory_space<hbm>> -> memref<4096xi32, #tpu.memory_space<hbm>>
    tpu.enqueue_dma source(%dma_start3A_21 : memref<4096xi32, #tpu.memory_space<hbm>>) target(%arg9 : memref<4096xi32, #tpu.memory_space<vmem>>) target_semaphore(%arg13 : memref<!tpu.dma_semaphore, #tpu.memory_space<semaphore_mem>>)
    %scan3A = arith.constant 0 : i32
    %scan3A_22 = arith.constant 13 : i32
    %scan3A_23 = arith.addi %scan3A, %scan3A_22 : i32
    %scan3A_24 = arith.constant 1 : i32
    scf.for %scan3A_153 = %scan3A to %scan3A_23 step %scan3A_24  : i32 {
      %mul3A_154 = arith.constant 2 : i32
      %mul3A_155 = arith.muli %scan3A_153, %mul3A_154 : i32
      %add3A_156 = arith.constant 0 : i32
      %add3A_157 = arith.addi %mul3A_155, %add3A_156 : i32
      %lt3A = arith.constant 25 : i32
      %lt3A_158 = arith.cmpi slt, %add3A_157, %lt3A : i32
      %convert_element_type3A = arith.extui %lt3A_158 : i1 to i32
      %cond3A = arith.constant 0 : i32
      %cond3A_159 = arith.cmpi ne, %convert_element_type3A, %cond3A : i32
      scf.if %cond3A_159 {
        %mul3A_169 = arith.constant 131072 : i32
        %mul3A_170 = arith.muli %add3A_157, %mul3A_169 : i32
        %add3A_171 = arith.constant 3276800 : i32
        %add3A_172 = arith.addi %add3A_171, %mul3A_170 : i32
        %add3A_173 = arith.addi %add3A_172, %mul3A_2 : i32
        %dma_wait3A_174 = tpu.memref_slice %arg3[%add3A_173] : memref<19660800xi32, #tpu.memory_space<hbm>> -> memref<4096xi32, #tpu.memory_space<hbm>>
        %dma_wait3A_175 = tpu.memref_slice %arg3[%add3A_173] : memref<19660800xi32, #tpu.memory_space<hbm>> -> memref<4096xi32, #tpu.memory_space<hbm>>
        tpu.wait_dma2 semaphore(%arg12 : memref<!tpu.dma_semaphore, #tpu.memory_space<semaphore_mem>>) src(%dma_wait3A_175 : memref<4096xi32, #tpu.memory_space<hbm>>) dst(%arg6 : memref<4096xi32, #tpu.memory_space<vmem>>)
        %mul3A_176 = arith.constant 131072 : i32
        %mul3A_177 = arith.muli %add3A_157, %mul3A_176 : i32
        %add3A_178 = arith.constant 6553600 : i32
        %add3A_179 = arith.addi %add3A_178, %mul3A_177 : i32
        %add3A_180 = arith.addi %add3A_179, %mul3A_2 : i32
        %dma_wait3A_181 = tpu.memref_slice %arg3[%add3A_180] : memref<19660800xi32, #tpu.memory_space<hbm>> -> memref<4096xi32, #tpu.memory_space<hbm>>
        %dma_wait3A_182 = tpu.memref_slice %arg3[%add3A_180] : memref<19660800xi32, #tpu.memory_space<hbm>> -> memref<4096xi32, #tpu.memory_space<hbm>>
        tpu.wait_dma2 semaphore(%arg12 : memref<!tpu.dma_semaphore, #tpu.memory_space<semaphore_mem>>) src(%dma_wait3A_182 : memref<4096xi32, #tpu.memory_space<hbm>>) dst(%arg8 : memref<4096xi32, #tpu.memory_space<vmem>>)
        %gt3A = arith.constant 0 : i32
        %gt3A_183 = arith.cmpi sgt, %scan3A_153, %gt3A : i32
        %convert_element_type3A_184 = arith.extui %gt3A_183 : i1 to i32
        %cond3A_185 = arith.constant 0 : i32
        %cond3A_186 = arith.cmpi ne, %convert_element_type3A_184, %cond3A_185 : i32
        scf.if %cond3A_186 {
          %sub3A = arith.constant 2 : i32
          %sub3A_300 = arith.subi %add3A_157, %sub3A : i32
          %mul3A_301 = arith.constant 8 : i32
          %mul3A_302 = arith.muli %sub3A_300, %mul3A_301 : i32
          %add3A_303 = arith.constant 0 : i32
          %add3A_304 = arith.addi %mul3A_302, %add3A_303 : i32
          %mul3A_305 = arith.constant 32768 : i32
          %mul3A_306 = arith.muli %add3A_304, %mul3A_305 : i32
          %add3A_307 = arith.addi %mul3A_306, %mul3A_6 : i32
          %dma_wait3A_308 = arith.constant 0 : i32
          %dma_wait3A_309 = tpu.memref_slice %arg10[%dma_wait3A_308] : memref<8192xf32, #tpu.memory_space<vmem>> -> memref<1024xf32, #tpu.memory_space<vmem>>
          %dma_wait3A_310 = tpu.memref_slice %arg4[%add3A_307] : memref<6553600xf32, #tpu.memory_space<hbm>> -> memref<1024xf32, #tpu.memory_space<hbm>>
          %dma_wait3A_311 = tpu.memref_slice %arg4[%add3A_307] : memref<6553600xf32, #tpu.memory_space<hbm>> -> memref<1024xf32, #tpu.memory_space<hbm>>
          %dma_wait3A_312 = arith.constant 0 : i32
          %dma_wait3A_313 = tpu.memref_slice %arg10[%dma_wait3A_312] : memref<8192xf32, #tpu.memory_space<vmem>> -> memref<1024xf32, #tpu.memory_space<vmem>>
          tpu.wait_dma2 semaphore(%arg14 : memref<!tpu.dma_semaphore, #tpu.memory_space<semaphore_mem>>) src(%dma_wait3A_313 : memref<1024xf32, #tpu.memory_space<vmem>>) dst(%dma_wait3A_311 : memref<1024xf32, #tpu.memory_space<hbm>>)
          %sub3A_314 = arith.constant 2 : i32
          %sub3A_315 = arith.subi %add3A_157, %sub3A_314 : i32
          %mul3A_316 = arith.constant 8 : i32
          %mul3A_317 = arith.muli %sub3A_315, %mul3A_316 : i32
          %add3A_318 = arith.constant 1 : i32
          %add3A_319 = arith.addi %mul3A_317, %add3A_318 : i32
          %mul3A_320 = arith.constant 32768 : i32
          %mul3A_321 = arith.muli %add3A_319, %mul3A_320 : i32
          %add3A_322 = arith.addi %mul3A_321, %mul3A_6 : i32
          %dma_wait3A_323 = arith.constant 1024 : i32
          %dma_wait3A_324 = tpu.memref_slice %arg10[%dma_wait3A_323] : memref<8192xf32, #tpu.memory_space<vmem>> -> memref<1024xf32, #tpu.memory_space<vmem>>
          %dma_wait3A_325 = tpu.memref_slice %arg4[%add3A_322] : memref<6553600xf32, #tpu.memory_space<hbm>> -> memref<1024xf32, #tpu.memory_space<hbm>>
          %dma_wait3A_326 = tpu.memref_slice %arg4[%add3A_322] : memref<6553600xf32, #tpu.memory_space<hbm>> -> memref<1024xf32, #tpu.memory_space<hbm>>
          %dma_wait3A_327 = arith.constant 1024 : i32
          %dma_wait3A_328 = tpu.memref_slice %arg10[%dma_wait3A_327] : memref<8192xf32, #tpu.memory_space<vmem>> -> memref<1024xf32, #tpu.memory_space<vmem>>
          tpu.wait_dma2 semaphore(%arg14 : memref<!tpu.dma_semaphore, #tpu.memory_space<semaphore_mem>>) src(%dma_wait3A_328 : memref<1024xf32, #tpu.memory_space<vmem>>) dst(%dma_wait3A_326 : memref<1024xf32, #tpu.memory_space<hbm>>)
          %sub3A_329 = arith.constant 2 : i32
          %sub3A_330 = arith.subi %add3A_157, %sub3A_329 : i32
          %mul3A_331 = arith.constant 8 : i32
          %mul3A_332 = arith.muli %sub3A_330, %mul3A_331 : i32
          %add3A_333 = arith.constant 2 : i32
          %add3A_334 = arith.addi %mul3A_332, %add3A_333 : i32
          %mul3A_335 = arith.constant 32768 : i32
          %mul3A_336 = arith.muli %add3A_334, %mul3A_335 : i32
          %add3A_337 = arith.addi %mul3A_336, %mul3A_6 : i32
          %dma_wait3A_338 = arith.constant 2048 : i32
          %dma_wait3A_339 = tpu.memref_slice %arg10[%dma_wait3A_338] : memref<8192xf32, #tpu.memory_space<vmem>> -> memref<1024xf32, #tpu.memory_space<vmem>>
          %dma_wait3A_340 = tpu.memref_slice %arg4[%add3A_337] : memref<6553600xf32, #tpu.memory_space<hbm>> -> memref<1024xf32, #tpu.memory_space<hbm>>
          %dma_wait3A_341 = tpu.memref_slice %arg4[%add3A_337] : memref<6553600xf32, #tpu.memory_space<hbm>> -> memref<1024xf32, #tpu.memory_space<hbm>>
          %dma_wait3A_342 = arith.constant 2048 : i32
          %dma_wait3A_343 = tpu.memref_slice %arg10[%dma_wait3A_342] : memref<8192xf32, #tpu.memory_space<vmem>> -> memref<1024xf32, #tpu.memory_space<vmem>>
          tpu.wait_dma2 semaphore(%arg14 : memref<!tpu.dma_semaphore, #tpu.memory_space<semaphore_mem>>) src(%dma_wait3A_343 : memref<1024xf32, #tpu.memory_space<vmem>>) dst(%dma_wait3A_341 : memref<1024xf32, #tpu.memory_space<hbm>>)
          %sub3A_344 = arith.constant 2 : i32
          %sub3A_345 = arith.subi %add3A_157, %sub3A_344 : i32
          %mul3A_346 = arith.constant 8 : i32
          %mul3A_347 = arith.muli %sub3A_345, %mul3A_346 : i32
          %add3A_348 = arith.constant 3 : i32
          %add3A_349 = arith.addi %mul3A_347, %add3A_348 : i32
          %mul3A_350 = arith.constant 32768 : i32
          %mul3A_351 = arith.muli %add3A_349, %mul3A_350 : i32
          %add3A_352 = arith.addi %mul3A_351, %mul3A_6 : i32
          %dma_wait3A_353 = arith.constant 3072 : i32
          %dma_wait3A_354 = tpu.memref_slice %arg10[%dma_wait3A_353] : memref<8192xf32, #tpu.memory_space<vmem>> -> memref<1024xf32, #tpu.memory_space<vmem>>
          %dma_wait3A_355 = tpu.memref_slice %arg4[%add3A_352] : memref<6553600xf32, #tpu.memory_space<hbm>> -> memref<1024xf32, #tpu.memory_space<hbm>>
          %dma_wait3A_356 = tpu.memref_slice %arg4[%add3A_352] : memref<6553600xf32, #tpu.memory_space<hbm>> -> memref<1024xf32, #tpu.memory_space<hbm>>
          %dma_wait3A_357 = arith.constant 3072 : i32
          %dma_wait3A_358 = tpu.memref_slice %arg10[%dma_wait3A_357] : memref<8192xf32, #tpu.memory_space<vmem>> -> memref<1024xf32, #tpu.memory_space<vmem>>
          tpu.wait_dma2 semaphore(%arg14 : memref<!tpu.dma_semaphore, #tpu.memory_space<semaphore_mem>>) src(%dma_wait3A_358 : memref<1024xf32, #tpu.memory_space<vmem>>) dst(%dma_wait3A_356 : memref<1024xf32, #tpu.memory_space<hbm>>)
          %sub3A_359 = arith.constant 2 : i32
          %sub3A_360 = arith.subi %add3A_157, %sub3A_359 : i32
          %mul3A_361 = arith.constant 8 : i32
          %mul3A_362 = arith.muli %sub3A_360, %mul3A_361 : i32
          %add3A_363 = arith.constant 4 : i32
          %add3A_364 = arith.addi %mul3A_362, %add3A_363 : i32
          %mul3A_365 = arith.constant 32768 : i32
          %mul3A_366 = arith.muli %add3A_364, %mul3A_365 : i32
          %add3A_367 = arith.addi %mul3A_366, %mul3A_6 : i32
          %dma_wait3A_368 = arith.constant 4096 : i32
          %dma_wait3A_369 = tpu.memref_slice %arg10[%dma_wait3A_368] : memref<8192xf32, #tpu.memory_space<vmem>> -> memref<1024xf32, #tpu.memory_space<vmem>>
          %dma_wait3A_370 = tpu.memref_slice %arg4[%add3A_367] : memref<6553600xf32, #tpu.memory_space<hbm>> -> memref<1024xf32, #tpu.memory_space<hbm>>
          %dma_wait3A_371 = tpu.memref_slice %arg4[%add3A_367] : memref<6553600xf32, #tpu.memory_space<hbm>> -> memref<1024xf32, #tpu.memory_space<hbm>>
          %dma_wait3A_372 = arith.constant 4096 : i32
          %dma_wait3A_373 = tpu.memref_slice %arg10[%dma_wait3A_372] : memref<8192xf32, #tpu.memory_space<vmem>> -> memref<1024xf32, #tpu.memory_space<vmem>>
          tpu.wait_dma2 semaphore(%arg14 : memref<!tpu.dma_semaphore, #tpu.memory_space<semaphore_mem>>) src(%dma_wait3A_373 : memref<1024xf32, #tpu.memory_space<vmem>>) dst(%dma_wait3A_371 : memref<1024xf32, #tpu.memory_space<hbm>>)
          %sub3A_374 = arith.constant 2 : i32
          %sub3A_375 = arith.subi %add3A_157, %sub3A_374 : i32
          %mul3A_376 = arith.constant 8 : i32
          %mul3A_377 = arith.muli %sub3A_375, %mul3A_376 : i32
          %add3A_378 = arith.constant 5 : i32
          %add3A_379 = arith.addi %mul3A_377, %add3A_378 : i32
          %mul3A_380 = arith.constant 32768 : i32
          %mul3A_381 = arith.muli %add3A_379, %mul3A_380 : i32
          %add3A_382 = arith.addi %mul3A_381, %mul3A_6 : i32
          %dma_wait3A_383 = arith.constant 5120 : i32
          %dma_wait3A_384 = tpu.memref_slice %arg10[%dma_wait3A_383] : memref<8192xf32, #tpu.memory_space<vmem>> -> memref<1024xf32, #tpu.memory_space<vmem>>
          %dma_wait3A_385 = tpu.memref_slice %arg4[%add3A_382] : memref<6553600xf32, #tpu.memory_space<hbm>> -> memref<1024xf32, #tpu.memory_space<hbm>>
          %dma_wait3A_386 = tpu.memref_slice %arg4[%add3A_382] : memref<6553600xf32, #tpu.memory_space<hbm>> -> memref<1024xf32, #tpu.memory_space<hbm>>
          %dma_wait3A_387 = arith.constant 5120 : i32
          %dma_wait3A_388 = tpu.memref_slice %arg10[%dma_wait3A_387] : memref<8192xf32, #tpu.memory_space<vmem>> -> memref<1024xf32, #tpu.memory_space<vmem>>
          tpu.wait_dma2 semaphore(%arg14 : memref<!tpu.dma_semaphore, #tpu.memory_space<semaphore_mem>>) src(%dma_wait3A_388 : memref<1024xf32, #tpu.memory_space<vmem>>) dst(%dma_wait3A_386 : memref<1024xf32, #tpu.memory_space<hbm>>)
          %sub3A_389 = arith.constant 2 : i32
          %sub3A_390 = arith.subi %add3A_157, %sub3A_389 : i32
          %mul3A_391 = arith.constant 8 : i32
          %mul3A_392 = arith.muli %sub3A_390, %mul3A_391 : i32
          %add3A_393 = arith.constant 6 : i32
          %add3A_394 = arith.addi %mul3A_392, %add3A_393 : i32
          %mul3A_395 = arith.constant 32768 : i32
          %mul3A_396 = arith.muli %add3A_394, %mul3A_395 : i32
          %add3A_397 = arith.addi %mul3A_396, %mul3A_6 : i32
          %dma_wait3A_398 = arith.constant 6144 : i32
          %dma_wait3A_399 = tpu.memref_slice %arg10[%dma_wait3A_398] : memref<8192xf32, #tpu.memory_space<vmem>> -> memref<1024xf32, #tpu.memory_space<vmem>>
          %dma_wait3A_400 = tpu.memref_slice %arg4[%add3A_397] : memref<6553600xf32, #tpu.memory_space<hbm>> -> memref<1024xf32, #tpu.memory_space<hbm>>
          %dma_wait3A_401 = tpu.memref_slice %arg4[%add3A_397] : memref<6553600xf32, #tpu.memory_space<hbm>> -> memref<1024xf32, #tpu.memory_space<hbm>>
          %dma_wait3A_402 = arith.constant 6144 : i32
          %dma_wait3A_403 = tpu.memref_slice %arg10[%dma_wait3A_402] : memref<8192xf32, #tpu.memory_space<vmem>> -> memref<1024xf32, #tpu.memory_space<vmem>>
          tpu.wait_dma2 semaphore(%arg14 : memref<!tpu.dma_semaphore, #tpu.memory_space<semaphore_mem>>) src(%dma_wait3A_403 : memref<1024xf32, #tpu.memory_space<vmem>>) dst(%dma_wait3A_401 : memref<1024xf32, #tpu.memory_space<hbm>>)
          %sub3A_404 = arith.constant 2 : i32
          %sub3A_405 = arith.subi %add3A_157, %sub3A_404 : i32
          %mul3A_406 = arith.constant 8 : i32
          %mul3A_407 = arith.muli %sub3A_405, %mul3A_406 : i32
          %add3A_408 = arith.constant 7 : i32
          %add3A_409 = arith.addi %mul3A_407, %add3A_408 : i32
          %mul3A_410 = arith.constant 32768 : i32
          %mul3A_411 = arith.muli %add3A_409, %mul3A_410 : i32
          %add3A_412 = arith.addi %mul3A_411, %mul3A_6 : i32
          %dma_wait3A_413 = arith.constant 7168 : i32
          %dma_wait3A_414 = tpu.memref_slice %arg10[%dma_wait3A_413] : memref<8192xf32, #tpu.memory_space<vmem>> -> memref<1024xf32, #tpu.memory_space<vmem>>
          %dma_wait3A_415 = tpu.memref_slice %arg4[%add3A_412] : memref<6553600xf32, #tpu.memory_space<hbm>> -> memref<1024xf32, #tpu.memory_space<hbm>>
          %dma_wait3A_416 = tpu.memref_slice %arg4[%add3A_412] : memref<6553600xf32, #tpu.memory_space<hbm>> -> memref<1024xf32, #tpu.memory_space<hbm>>
          %dma_wait3A_417 = arith.constant 7168 : i32
          %dma_wait3A_418 = tpu.memref_slice %arg10[%dma_wait3A_417] : memref<8192xf32, #tpu.memory_space<vmem>> -> memref<1024xf32, #tpu.memory_space<vmem>>
          tpu.wait_dma2 semaphore(%arg14 : memref<!tpu.dma_semaphore, #tpu.memory_space<semaphore_mem>>) src(%dma_wait3A_418 : memref<1024xf32, #tpu.memory_space<vmem>>) dst(%dma_wait3A_416 : memref<1024xf32, #tpu.memory_space<hbm>>)
        } else {
        }
        %parallel_loop3A = arith.constant 0 : i32
        %parallel_loop3A_187 = arith.constant 256 : i32
        %parallel_loop3A_188 = arith.constant 1 : i32
        scf.for %parallel_loop3A_300 = %parallel_loop3A to %parallel_loop3A_187 step %parallel_loop3A_188  : i32 {
          %parallel_loop3A_301 = arith.constant 5 : i32
          %parallel_loop3A_302 = arith.shrsi %parallel_loop3A_300, %parallel_loop3A_301 : i32
          %parallel_loop3A_303 = arith.constant 3 : i32
          %parallel_loop3A_304 = arith.shrsi %parallel_loop3A_300, %parallel_loop3A_303 : i32
          %parallel_loop3A_305 = arith.constant 3 : i32
          %parallel_loop3A_306 = arith.andi %parallel_loop3A_304, %parallel_loop3A_305 : i32
          %parallel_loop3A_307 = arith.constant 7 : i32
          %parallel_loop3A_308 = arith.andi %parallel_loop3A_300, %parallel_loop3A_307 : i32
          %parallel_loop3A_309 = arith.constant 1024 : i32
          %parallel_loop3A_310 = arith.muli %parallel_loop3A_306, %parallel_loop3A_309 : i32
          %parallel_loop3A_311 = arith.constant 128 : i32
          %parallel_loop3A_312 = arith.muli %parallel_loop3A_302, %parallel_loop3A_311 : i32
          %parallel_loop3A_313 = arith.addi %parallel_loop3A_310, %parallel_loop3A_312 : i32
          %parallel_loop3A_314 = arith.constant 16 : i32
          %parallel_loop3A_315 = arith.muli %parallel_loop3A_308, %parallel_loop3A_314 : i32
          %parallel_loop3A_316 = arith.addi %parallel_loop3A_313, %parallel_loop3A_315 : i32
          %parallel_loop3A_317 = arith.constant 1024 : i32
          %parallel_loop3A_318 = arith.muli %parallel_loop3A_302, %parallel_loop3A_317 : i32
          %parallel_loop3A_319 = arith.constant 256 : i32
          %parallel_loop3A_320 = arith.muli %parallel_loop3A_306, %parallel_loop3A_319 : i32
          %parallel_loop3A_321 = arith.addi %parallel_loop3A_318, %parallel_loop3A_320 : i32
          %parallel_loop3A_322 = arith.constant 16 : i32
          %parallel_loop3A_323 = arith.muli %parallel_loop3A_308, %parallel_loop3A_322 : i32
          %parallel_loop3A_324 = arith.addi %parallel_loop3A_321, %parallel_loop3A_323 : i32
          %parallel_loop3A_325 = arith.index_cast %parallel_loop3A_316 : i32 to index
          %parallel_loop3A_326 = tpu.vector_load %arg6[%parallel_loop3A_325] {strides = array<i32>} : memref<4096xi32, #tpu.memory_space<vmem>>, vector<16xi32>,
          %parallel_loop3A_327 = tpu.vector_load_idx %arg5[%parallel_loop3A_326] : memref<2560xf32, #tpu.memory_space<vmem>>[vector<16xi32>], vector<16xf32>,
          %parallel_loop3A_328 = arith.index_cast %parallel_loop3A_324 : i32 to index
          %parallel_loop3A_329 = tpu.vector_load %arg10[%parallel_loop3A_328] {strides = array<i32>} : memref<8192xf32, #tpu.memory_space<vmem>>, vector<16xf32>,
          tpu.vector_store %arg10[%parallel_loop3A_328], %parallel_loop3A_327 {strides = array<i32>} : memref<8192xf32, #tpu.memory_space<vmem>>, vector<16xf32>,
          %parallel_loop3A_330 = arith.index_cast %parallel_loop3A_316 : i32 to index
          %parallel_loop3A_331 = tpu.vector_load %arg8[%parallel_loop3A_330] {strides = array<i32>} : memref<4096xi32, #tpu.memory_space<vmem>>, vector<16xi32>,
          %parallel_loop3A_332 = tpu.vector_load_idx %arg5[%parallel_loop3A_331] : memref<2560xf32, #tpu.memory_space<vmem>>[vector<16xi32>], vector<16xf32>,
          %parallel_loop3A_333 = arith.constant 128 : i32
          %parallel_loop3A_334 = arith.addi %parallel_loop3A_324, %parallel_loop3A_333 : i32
          %parallel_loop3A_335 = arith.index_cast %parallel_loop3A_334 : i32 to index
          %parallel_loop3A_336 = tpu.vector_load %arg10[%parallel_loop3A_335] {strides = array<i32>} : memref<8192xf32, #tpu.memory_space<vmem>>, vector<16xf32>,
          tpu.vector_store %arg10[%parallel_loop3A_335], %parallel_loop3A_332 {strides = array<i32>} : memref<8192xf32, #tpu.memory_space<vmem>>, vector<16xf32>,
        } {sc.loop_unroll_factor = 4 : i64, sc.parallel_access}
        %mul3A_189 = arith.constant 8 : i32
        %mul3A_190 = arith.muli %add3A_157, %mul3A_189 : i32
        %add3A_191 = arith.constant 0 : i32
        %add3A_192 = arith.addi %mul3A_190, %add3A_191 : i32
        %mul3A_193 = arith.constant 32768 : i32
        %mul3A_194 = arith.muli %add3A_192, %mul3A_193 : i32
        %add3A_195 = arith.addi %mul3A_194, %mul3A_6 : i32
        %dma_start3A_196 = arith.constant 0 : i32
        %dma_start3A_197 = tpu.memref_slice %arg10[%dma_start3A_196] : memref<8192xf32, #tpu.memory_space<vmem>> -> memref<1024xf32, #tpu.memory_space<vmem>>
        %dma_start3A_198 = tpu.memref_slice %arg4[%add3A_195] : memref<6553600xf32, #tpu.memory_space<hbm>> -> memref<1024xf32, #tpu.memory_space<hbm>>
        %dma_start3A_199 = tpu.memref_slice %arg4[%add3A_195] : memref<6553600xf32, #tpu.memory_space<hbm>> -> memref<1024xf32, #tpu.memory_space<hbm>>
        %dma_start3A_200 = arith.constant 0 : i32
        %dma_start3A_201 = tpu.memref_slice %arg10[%dma_start3A_200] : memref<8192xf32, #tpu.memory_space<vmem>> -> memref<1024xf32, #tpu.memory_space<vmem>>
        tpu.enqueue_dma source(%dma_start3A_201 : memref<1024xf32, #tpu.memory_space<vmem>>) target(%dma_start3A_199 : memref<1024xf32, #tpu.memory_space<hbm>>) target_semaphore(%arg14 : memref<!tpu.dma_semaphore, #tpu.memory_space<semaphore_mem>>)
        %mul3A_202 = arith.constant 8 : i32
        %mul3A_203 = arith.muli %add3A_157, %mul3A_202 : i32
        %add3A_204 = arith.constant 1 : i32
        %add3A_205 = arith.addi %mul3A_203, %add3A_204 : i32
        %mul3A_206 = arith.constant 32768 : i32
        %mul3A_207 = arith.muli %add3A_205, %mul3A_206 : i32
        %add3A_208 = arith.addi %mul3A_207, %mul3A_6 : i32
        %dma_start3A_209 = arith.constant 1024 : i32
        %dma_start3A_210 = tpu.memref_slice %arg10[%dma_start3A_209] : memref<8192xf32, #tpu.memory_space<vmem>> -> memref<1024xf32, #tpu.memory_space<vmem>>
        %dma_start3A_211 = tpu.memref_slice %arg4[%add3A_208] : memref<6553600xf32, #tpu.memory_space<hbm>> -> memref<1024xf32, #tpu.memory_space<hbm>>
        %dma_start3A_212 = tpu.memref_slice %arg4[%add3A_208] : memref<6553600xf32, #tpu.memory_space<hbm>> -> memref<1024xf32, #tpu.memory_space<hbm>>
        %dma_start3A_213 = arith.constant 1024 : i32
        %dma_start3A_214 = tpu.memref_slice %arg10[%dma_start3A_213] : memref<8192xf32, #tpu.memory_space<vmem>> -> memref<1024xf32, #tpu.memory_space<vmem>>
        tpu.enqueue_dma source(%dma_start3A_214 : memref<1024xf32, #tpu.memory_space<vmem>>) target(%dma_start3A_212 : memref<1024xf32, #tpu.memory_space<hbm>>) target_semaphore(%arg14 : memref<!tpu.dma_semaphore, #tpu.memory_space<semaphore_mem>>)
        %mul3A_215 = arith.constant 8 : i32
        %mul3A_216 = arith.muli %add3A_157, %mul3A_215 : i32
        %add3A_217 = arith.constant 2 : i32
        %add3A_218 = arith.addi %mul3A_216, %add3A_217 : i32
        %mul3A_219 = arith.constant 32768 : i32
        %mul3A_220 = arith.muli %add3A_218, %mul3A_219 : i32
        %add3A_221 = arith.addi %mul3A_220, %mul3A_6 : i32
        %dma_start3A_222 = arith.constant 2048 : i32
        %dma_start3A_223 = tpu.memref_slice %arg10[%dma_start3A_222] : memref<8192xf32, #tpu.memory_space<vmem>> -> memref<1024xf32, #tpu.memory_space<vmem>>
        %dma_start3A_224 = tpu.memref_slice %arg4[%add3A_221] : memref<6553600xf32, #tpu.memory_space<hbm>> -> memref<1024xf32, #tpu.memory_space<hbm>>
        %dma_start3A_225 = tpu.memref_slice %arg4[%add3A_221] : memref<6553600xf32, #tpu.memory_space<hbm>> -> memref<1024xf32, #tpu.memory_space<hbm>>
        %dma_start3A_226 = arith.constant 2048 : i32
        %dma_start3A_227 = tpu.memref_slice %arg10[%dma_start3A_226] : memref<8192xf32, #tpu.memory_space<vmem>> -> memref<1024xf32, #tpu.memory_space<vmem>>
        tpu.enqueue_dma source(%dma_start3A_227 : memref<1024xf32, #tpu.memory_space<vmem>>) target(%dma_start3A_225 : memref<1024xf32, #tpu.memory_space<hbm>>) target_semaphore(%arg14 : memref<!tpu.dma_semaphore, #tpu.memory_space<semaphore_mem>>)
        %mul3A_228 = arith.constant 8 : i32
        %mul3A_229 = arith.muli %add3A_157, %mul3A_228 : i32
        %add3A_230 = arith.constant 3 : i32
        %add3A_231 = arith.addi %mul3A_229, %add3A_230 : i32
        %mul3A_232 = arith.constant 32768 : i32
        %mul3A_233 = arith.muli %add3A_231, %mul3A_232 : i32
        %add3A_234 = arith.addi %mul3A_233, %mul3A_6 : i32
        %dma_start3A_235 = arith.constant 3072 : i32
        %dma_start3A_236 = tpu.memref_slice %arg10[%dma_start3A_235] : memref<8192xf32, #tpu.memory_space<vmem>> -> memref<1024xf32, #tpu.memory_space<vmem>>
        %dma_start3A_237 = tpu.memref_slice %arg4[%add3A_234] : memref<6553600xf32, #tpu.memory_space<hbm>> -> memref<1024xf32, #tpu.memory_space<hbm>>
        %dma_start3A_238 = tpu.memref_slice %arg4[%add3A_234] : memref<6553600xf32, #tpu.memory_space<hbm>> -> memref<1024xf32, #tpu.memory_space<hbm>>
        %dma_start3A_239 = arith.constant 3072 : i32
        %dma_start3A_240 = tpu.memref_slice %arg10[%dma_start3A_239] : memref<8192xf32, #tpu.memory_space<vmem>> -> memref<1024xf32, #tpu.memory_space<vmem>>
        tpu.enqueue_dma source(%dma_start3A_240 : memref<1024xf32, #tpu.memory_space<vmem>>) target(%dma_start3A_238 : memref<1024xf32, #tpu.memory_space<hbm>>) target_semaphore(%arg14 : memref<!tpu.dma_semaphore, #tpu.memory_space<semaphore_mem>>)
        %mul3A_241 = arith.constant 8 : i32
        %mul3A_242 = arith.muli %add3A_157, %mul3A_241 : i32
        %add3A_243 = arith.constant 4 : i32
        %add3A_244 = arith.addi %mul3A_242, %add3A_243 : i32
        %mul3A_245 = arith.constant 32768 : i32
        %mul3A_246 = arith.muli %add3A_244, %mul3A_245 : i32
        %add3A_247 = arith.addi %mul3A_246, %mul3A_6 : i32
        %dma_start3A_248 = arith.constant 4096 : i32
        %dma_start3A_249 = tpu.memref_slice %arg10[%dma_start3A_248] : memref<8192xf32, #tpu.memory_space<vmem>> -> memref<1024xf32, #tpu.memory_space<vmem>>
        %dma_start3A_250 = tpu.memref_slice %arg4[%add3A_247] : memref<6553600xf32, #tpu.memory_space<hbm>> -> memref<1024xf32, #tpu.memory_space<hbm>>
        %dma_start3A_251 = tpu.memref_slice %arg4[%add3A_247] : memref<6553600xf32, #tpu.memory_space<hbm>> -> memref<1024xf32, #tpu.memory_space<hbm>>
        %dma_start3A_252 = arith.constant 4096 : i32
        %dma_start3A_253 = tpu.memref_slice %arg10[%dma_start3A_252] : memref<8192xf32, #tpu.memory_space<vmem>> -> memref<1024xf32, #tpu.memory_space<vmem>>
        tpu.enqueue_dma source(%dma_start3A_253 : memref<1024xf32, #tpu.memory_space<vmem>>) target(%dma_start3A_251 : memref<1024xf32, #tpu.memory_space<hbm>>) target_semaphore(%arg14 : memref<!tpu.dma_semaphore, #tpu.memory_space<semaphore_mem>>)
        %mul3A_254 = arith.constant 8 : i32
        %mul3A_255 = arith.muli %add3A_157, %mul3A_254 : i32
        %add3A_256 = arith.constant 5 : i32
        %add3A_257 = arith.addi %mul3A_255, %add3A_256 : i32
        %mul3A_258 = arith.constant 32768 : i32
        %mul3A_259 = arith.muli %add3A_257, %mul3A_258 : i32
        %add3A_260 = arith.addi %mul3A_259, %mul3A_6 : i32
        %dma_start3A_261 = arith.constant 5120 : i32
        %dma_start3A_262 = tpu.memref_slice %arg10[%dma_start3A_261] : memref<8192xf32, #tpu.memory_space<vmem>> -> memref<1024xf32, #tpu.memory_space<vmem>>
        %dma_start3A_263 = tpu.memref_slice %arg4[%add3A_260] : memref<6553600xf32, #tpu.memory_space<hbm>> -> memref<1024xf32, #tpu.memory_space<hbm>>
        %dma_start3A_264 = tpu.memref_slice %arg4[%add3A_260] : memref<6553600xf32, #tpu.memory_space<hbm>> -> memref<1024xf32, #tpu.memory_space<hbm>>
        %dma_start3A_265 = arith.constant 5120 : i32
        %dma_start3A_266 = tpu.memref_slice %arg10[%dma_start3A_265] : memref<8192xf32, #tpu.memory_space<vmem>> -> memref<1024xf32, #tpu.memory_space<vmem>>
        tpu.enqueue_dma source(%dma_start3A_266 : memref<1024xf32, #tpu.memory_space<vmem>>) target(%dma_start3A_264 : memref<1024xf32, #tpu.memory_space<hbm>>) target_semaphore(%arg14 : memref<!tpu.dma_semaphore, #tpu.memory_space<semaphore_mem>>)
        %mul3A_267 = arith.constant 8 : i32
        %mul3A_268 = arith.muli %add3A_157, %mul3A_267 : i32
        %add3A_269 = arith.constant 6 : i32
        %add3A_270 = arith.addi %mul3A_268, %add3A_269 : i32
        %mul3A_271 = arith.constant 32768 : i32
        %mul3A_272 = arith.muli %add3A_270, %mul3A_271 : i32
        %add3A_273 = arith.addi %mul3A_272, %mul3A_6 : i32
        %dma_start3A_274 = arith.constant 6144 : i32
        %dma_start3A_275 = tpu.memref_slice %arg10[%dma_start3A_274] : memref<8192xf32, #tpu.memory_space<vmem>> -> memref<1024xf32, #tpu.memory_space<vmem>>
        %dma_start3A_276 = tpu.memref_slice %arg4[%add3A_273] : memref<6553600xf32, #tpu.memory_space<hbm>> -> memref<1024xf32, #tpu.memory_space<hbm>>
        %dma_start3A_277 = tpu.memref_slice %arg4[%add3A_273] : memref<6553600xf32, #tpu.memory_space<hbm>> -> memref<1024xf32, #tpu.memory_space<hbm>>
        %dma_start3A_278 = arith.constant 6144 : i32
        %dma_start3A_279 = tpu.memref_slice %arg10[%dma_start3A_278] : memref<8192xf32, #tpu.memory_space<vmem>> -> memref<1024xf32, #tpu.memory_space<vmem>>
        tpu.enqueue_dma source(%dma_start3A_279 : memref<1024xf32, #tpu.memory_space<vmem>>) target(%dma_start3A_277 : memref<1024xf32, #tpu.memory_space<hbm>>) target_semaphore(%arg14 : memref<!tpu.dma_semaphore, #tpu.memory_space<semaphore_mem>>)
        %mul3A_280 = arith.constant 8 : i32
        %mul3A_281 = arith.muli %add3A_157, %mul3A_280 : i32
        %add3A_282 = arith.constant 7 : i32
        %add3A_283 = arith.addi %mul3A_281, %add3A_282 : i32
        %mul3A_284 = arith.constant 32768 : i32
        %mul3A_285 = arith.muli %add3A_283, %mul3A_284 : i32
        %add3A_286 = arith.addi %mul3A_285, %mul3A_6 : i32
        %dma_start3A_287 = arith.constant 7168 : i32
        %dma_start3A_288 = tpu.memref_slice %arg10[%dma_start3A_287] : memref<8192xf32, #tpu.memory_space<vmem>> -> memref<1024xf32, #tpu.memory_space<vmem>>
        %dma_start3A_289 = tpu.memref_slice %arg4[%add3A_286] : memref<6553600xf32, #tpu.memory_space<hbm>> -> memref<1024xf32, #tpu.memory_space<hbm>>
        %dma_start3A_290 = tpu.memref_slice %arg4[%add3A_286] : memref<6553600xf32, #tpu.memory_space<hbm>> -> memref<1024xf32, #tpu.memory_space<hbm>>
        %dma_start3A_291 = arith.constant 7168 : i32
        %dma_start3A_292 = tpu.memref_slice %arg10[%dma_start3A_291] : memref<8192xf32, #tpu.memory_space<vmem>> -> memref<1024xf32, #tpu.memory_space<vmem>>
        tpu.enqueue_dma source(%dma_start3A_292 : memref<1024xf32, #tpu.memory_space<vmem>>) target(%dma_start3A_290 : memref<1024xf32, #tpu.memory_space<hbm>>) target_semaphore(%arg14 : memref<!tpu.dma_semaphore, #tpu.memory_space<semaphore_mem>>)
        %add3A_293 = arith.constant 2 : i32
        %add3A_294 = arith.addi %add3A_157, %add3A_293 : i32
        %lt3A_295 = arith.constant 25 : i32
        %lt3A_296 = arith.cmpi slt, %add3A_294, %lt3A_295 : i32
        %convert_element_type3A_297 = arith.extui %lt3A_296 : i1 to i32
        %cond3A_298 = arith.constant 0 : i32
        %cond3A_299 = arith.cmpi ne, %convert_element_type3A_297, %cond3A_298 : i32
        scf.if %cond3A_299 {
          %add3A_300 = arith.constant 2 : i32
          %add3A_301 = arith.addi %add3A_157, %add3A_300 : i32
          %mul3A_302 = arith.constant 131072 : i32
          %mul3A_303 = arith.muli %add3A_301, %mul3A_302 : i32
          %add3A_304 = arith.constant 3276800 : i32
          %add3A_305 = arith.addi %add3A_304, %mul3A_303 : i32
          %add3A_306 = arith.addi %add3A_305, %mul3A_2 : i32
          %dma_start3A_307 = tpu.memref_slice %arg3[%add3A_306] : memref<19660800xi32, #tpu.memory_space<hbm>> -> memref<4096xi32, #tpu.memory_space<hbm>>
          %dma_start3A_308 = tpu.memref_slice %arg3[%add3A_306] : memref<19660800xi32, #tpu.memory_space<hbm>> -> memref<4096xi32, #tpu.memory_space<hbm>>
          tpu.enqueue_dma source(%dma_start3A_308 : memref<4096xi32, #tpu.memory_space<hbm>>) target(%arg6 : memref<4096xi32, #tpu.memory_space<vmem>>) target_semaphore(%arg12 : memref<!tpu.dma_semaphore, #tpu.memory_space<semaphore_mem>>)
          %add3A_309 = arith.constant 2 : i32
          %add3A_310 = arith.addi %add3A_157, %add3A_309 : i32
          %mul3A_311 = arith.constant 131072 : i32
          %mul3A_312 = arith.muli %add3A_310, %mul3A_311 : i32
          %add3A_313 = arith.constant 6553600 : i32
          %add3A_314 = arith.addi %add3A_313, %mul3A_312 : i32
          %add3A_315 = arith.addi %add3A_314, %mul3A_2 : i32
          %dma_start3A_316 = tpu.memref_slice %arg3[%add3A_315] : memref<19660800xi32, #tpu.memory_space<hbm>> -> memref<4096xi32, #tpu.memory_space<hbm>>
          %dma_start3A_317 = tpu.memref_slice %arg3[%add3A_315] : memref<19660800xi32, #tpu.memory_space<hbm>> -> memref<4096xi32, #tpu.memory_space<hbm>>
          tpu.enqueue_dma source(%dma_start3A_317 : memref<4096xi32, #tpu.memory_space<hbm>>) target(%arg8 : memref<4096xi32, #tpu.memory_space<vmem>>) target_semaphore(%arg12 : memref<!tpu.dma_semaphore, #tpu.memory_space<semaphore_mem>>)
        } else {
        }
      } else {
      }
      %mul3A_160 = arith.constant 2 : i32
      %mul3A_161 = arith.muli %scan3A_153, %mul3A_160 : i32
      %add3A_162 = arith.constant 1 : i32
      %add3A_163 = arith.addi %mul3A_161, %add3A_162 : i32
      %lt3A_164 = arith.constant 25 : i32
      %lt3A_165 = arith.cmpi slt, %add3A_163, %lt3A_164 : i32
      %convert_element_type3A_166 = arith.extui %lt3A_165 : i1 to i32
      %cond3A_167 = arith.constant 0 : i32
      %cond3A_168 = arith.cmpi ne, %convert_element_type3A_166, %cond3A_167 : i32
      scf.if %cond3A_168 {
        %mul3A_169 = arith.constant 131072 : i32
        %mul3A_170 = arith.muli %add3A_163, %mul3A_169 : i32
        %add3A_171 = arith.constant 3276800 : i32
        %add3A_172 = arith.addi %add3A_171, %mul3A_170 : i32
        %add3A_173 = arith.addi %add3A_172, %mul3A_2 : i32
        %dma_wait3A_174 = tpu.memref_slice %arg3[%add3A_173] : memref<19660800xi32, #tpu.memory_space<hbm>> -> memref<4096xi32, #tpu.memory_space<hbm>>
        %dma_wait3A_175 = tpu.memref_slice %arg3[%add3A_173] : memref<19660800xi32, #tpu.memory_space<hbm>> -> memref<4096xi32, #tpu.memory_space<hbm>>
        tpu.wait_dma2 semaphore(%arg13 : memref<!tpu.dma_semaphore, #tpu.memory_space<semaphore_mem>>) src(%dma_wait3A_175 : memref<4096xi32, #tpu.memory_space<hbm>>) dst(%arg7 : memref<4096xi32, #tpu.memory_space<vmem>>)
        %mul3A_176 = arith.constant 131072 : i32
        %mul3A_177 = arith.muli %add3A_163, %mul3A_176 : i32
        %add3A_178 = arith.constant 6553600 : i32
        %add3A_179 = arith.addi %add3A_178, %mul3A_177 : i32
        %add3A_180 = arith.addi %add3A_179, %mul3A_2 : i32
        %dma_wait3A_181 = tpu.memref_slice %arg3[%add3A_180] : memref<19660800xi32, #tpu.memory_space<hbm>> -> memref<4096xi32, #tpu.memory_space<hbm>>
        %dma_wait3A_182 = tpu.memref_slice %arg3[%add3A_180] : memref<19660800xi32, #tpu.memory_space<hbm>> -> memref<4096xi32, #tpu.memory_space<hbm>>
        tpu.wait_dma2 semaphore(%arg13 : memref<!tpu.dma_semaphore, #tpu.memory_space<semaphore_mem>>) src(%dma_wait3A_182 : memref<4096xi32, #tpu.memory_space<hbm>>) dst(%arg9 : memref<4096xi32, #tpu.memory_space<vmem>>)
        %gt3A = arith.constant 0 : i32
        %gt3A_183 = arith.cmpi sgt, %scan3A_153, %gt3A : i32
        %convert_element_type3A_184 = arith.extui %gt3A_183 : i1 to i32
        %cond3A_185 = arith.constant 0 : i32
        %cond3A_186 = arith.cmpi ne, %convert_element_type3A_184, %cond3A_185 : i32
        scf.if %cond3A_186 {
          %sub3A = arith.constant 2 : i32
          %sub3A_300 = arith.subi %add3A_163, %sub3A : i32
          %mul3A_301 = arith.constant 8 : i32
          %mul3A_302 = arith.muli %sub3A_300, %mul3A_301 : i32
          %add3A_303 = arith.constant 0 : i32
          %add3A_304 = arith.addi %mul3A_302, %add3A_303 : i32
          %mul3A_305 = arith.constant 32768 : i32
          %mul3A_306 = arith.muli %add3A_304, %mul3A_305 : i32
          %add3A_307 = arith.addi %mul3A_306, %mul3A_6 : i32
          %dma_wait3A_308 = arith.constant 0 : i32
          %dma_wait3A_309 = tpu.memref_slice %arg11[%dma_wait3A_308] : memref<8192xf32, #tpu.memory_space<vmem>> -> memref<1024xf32, #tpu.memory_space<vmem>>
          %dma_wait3A_310 = tpu.memref_slice %arg4[%add3A_307] : memref<6553600xf32, #tpu.memory_space<hbm>> -> memref<1024xf32, #tpu.memory_space<hbm>>
          %dma_wait3A_311 = tpu.memref_slice %arg4[%add3A_307] : memref<6553600xf32, #tpu.memory_space<hbm>> -> memref<1024xf32, #tpu.memory_space<hbm>>
          %dma_wait3A_312 = arith.constant 0 : i32
          %dma_wait3A_313 = tpu.memref_slice %arg11[%dma_wait3A_312] : memref<8192xf32, #tpu.memory_space<vmem>> -> memref<1024xf32, #tpu.memory_space<vmem>>
          tpu.wait_dma2 semaphore(%arg15 : memref<!tpu.dma_semaphore, #tpu.memory_space<semaphore_mem>>) src(%dma_wait3A_313 : memref<1024xf32, #tpu.memory_space<vmem>>) dst(%dma_wait3A_311 : memref<1024xf32, #tpu.memory_space<hbm>>)
          %sub3A_314 = arith.constant 2 : i32
          %sub3A_315 = arith.subi %add3A_163, %sub3A_314 : i32
          %mul3A_316 = arith.constant 8 : i32
          %mul3A_317 = arith.muli %sub3A_315, %mul3A_316 : i32
          %add3A_318 = arith.constant 1 : i32
          %add3A_319 = arith.addi %mul3A_317, %add3A_318 : i32
          %mul3A_320 = arith.constant 32768 : i32
          %mul3A_321 = arith.muli %add3A_319, %mul3A_320 : i32
          %add3A_322 = arith.addi %mul3A_321, %mul3A_6 : i32
          %dma_wait3A_323 = arith.constant 1024 : i32
          %dma_wait3A_324 = tpu.memref_slice %arg11[%dma_wait3A_323] : memref<8192xf32, #tpu.memory_space<vmem>> -> memref<1024xf32, #tpu.memory_space<vmem>>
          %dma_wait3A_325 = tpu.memref_slice %arg4[%add3A_322] : memref<6553600xf32, #tpu.memory_space<hbm>> -> memref<1024xf32, #tpu.memory_space<hbm>>
          %dma_wait3A_326 = tpu.memref_slice %arg4[%add3A_322] : memref<6553600xf32, #tpu.memory_space<hbm>> -> memref<1024xf32, #tpu.memory_space<hbm>>
          %dma_wait3A_327 = arith.constant 1024 : i32
          %dma_wait3A_328 = tpu.memref_slice %arg11[%dma_wait3A_327] : memref<8192xf32, #tpu.memory_space<vmem>> -> memref<1024xf32, #tpu.memory_space<vmem>>
          tpu.wait_dma2 semaphore(%arg15 : memref<!tpu.dma_semaphore, #tpu.memory_space<semaphore_mem>>) src(%dma_wait3A_328 : memref<1024xf32, #tpu.memory_space<vmem>>) dst(%dma_wait3A_326 : memref<1024xf32, #tpu.memory_space<hbm>>)
          %sub3A_329 = arith.constant 2 : i32
          %sub3A_330 = arith.subi %add3A_163, %sub3A_329 : i32
          %mul3A_331 = arith.constant 8 : i32
          %mul3A_332 = arith.muli %sub3A_330, %mul3A_331 : i32
          %add3A_333 = arith.constant 2 : i32
          %add3A_334 = arith.addi %mul3A_332, %add3A_333 : i32
          %mul3A_335 = arith.constant 32768 : i32
          %mul3A_336 = arith.muli %add3A_334, %mul3A_335 : i32
          %add3A_337 = arith.addi %mul3A_336, %mul3A_6 : i32
          %dma_wait3A_338 = arith.constant 2048 : i32
          %dma_wait3A_339 = tpu.memref_slice %arg11[%dma_wait3A_338] : memref<8192xf32, #tpu.memory_space<vmem>> -> memref<1024xf32, #tpu.memory_space<vmem>>
          %dma_wait3A_340 = tpu.memref_slice %arg4[%add3A_337] : memref<6553600xf32, #tpu.memory_space<hbm>> -> memref<1024xf32, #tpu.memory_space<hbm>>
          %dma_wait3A_341 = tpu.memref_slice %arg4[%add3A_337] : memref<6553600xf32, #tpu.memory_space<hbm>> -> memref<1024xf32, #tpu.memory_space<hbm>>
          %dma_wait3A_342 = arith.constant 2048 : i32
          %dma_wait3A_343 = tpu.memref_slice %arg11[%dma_wait3A_342] : memref<8192xf32, #tpu.memory_space<vmem>> -> memref<1024xf32, #tpu.memory_space<vmem>>
          tpu.wait_dma2 semaphore(%arg15 : memref<!tpu.dma_semaphore, #tpu.memory_space<semaphore_mem>>) src(%dma_wait3A_343 : memref<1024xf32, #tpu.memory_space<vmem>>) dst(%dma_wait3A_341 : memref<1024xf32, #tpu.memory_space<hbm>>)
          %sub3A_344 = arith.constant 2 : i32
          %sub3A_345 = arith.subi %add3A_163, %sub3A_344 : i32
          %mul3A_346 = arith.constant 8 : i32
          %mul3A_347 = arith.muli %sub3A_345, %mul3A_346 : i32
          %add3A_348 = arith.constant 3 : i32
          %add3A_349 = arith.addi %mul3A_347, %add3A_348 : i32
          %mul3A_350 = arith.constant 32768 : i32
          %mul3A_351 = arith.muli %add3A_349, %mul3A_350 : i32
          %add3A_352 = arith.addi %mul3A_351, %mul3A_6 : i32
          %dma_wait3A_353 = arith.constant 3072 : i32
          %dma_wait3A_354 = tpu.memref_slice %arg11[%dma_wait3A_353] : memref<8192xf32, #tpu.memory_space<vmem>> -> memref<1024xf32, #tpu.memory_space<vmem>>
          %dma_wait3A_355 = tpu.memref_slice %arg4[%add3A_352] : memref<6553600xf32, #tpu.memory_space<hbm>> -> memref<1024xf32, #tpu.memory_space<hbm>>
          %dma_wait3A_356 = tpu.memref_slice %arg4[%add3A_352] : memref<6553600xf32, #tpu.memory_space<hbm>> -> memref<1024xf32, #tpu.memory_space<hbm>>
          %dma_wait3A_357 = arith.constant 3072 : i32
          %dma_wait3A_358 = tpu.memref_slice %arg11[%dma_wait3A_357] : memref<8192xf32, #tpu.memory_space<vmem>> -> memref<1024xf32, #tpu.memory_space<vmem>>
          tpu.wait_dma2 semaphore(%arg15 : memref<!tpu.dma_semaphore, #tpu.memory_space<semaphore_mem>>) src(%dma_wait3A_358 : memref<1024xf32, #tpu.memory_space<vmem>>) dst(%dma_wait3A_356 : memref<1024xf32, #tpu.memory_space<hbm>>)
          %sub3A_359 = arith.constant 2 : i32
          %sub3A_360 = arith.subi %add3A_163, %sub3A_359 : i32
          %mul3A_361 = arith.constant 8 : i32
          %mul3A_362 = arith.muli %sub3A_360, %mul3A_361 : i32
          %add3A_363 = arith.constant 4 : i32
          %add3A_364 = arith.addi %mul3A_362, %add3A_363 : i32
          %mul3A_365 = arith.constant 32768 : i32
          %mul3A_366 = arith.muli %add3A_364, %mul3A_365 : i32
          %add3A_367 = arith.addi %mul3A_366, %mul3A_6 : i32
          %dma_wait3A_368 = arith.constant 4096 : i32
          %dma_wait3A_369 = tpu.memref_slice %arg11[%dma_wait3A_368] : memref<8192xf32, #tpu.memory_space<vmem>> -> memref<1024xf32, #tpu.memory_space<vmem>>
          %dma_wait3A_370 = tpu.memref_slice %arg4[%add3A_367] : memref<6553600xf32, #tpu.memory_space<hbm>> -> memref<1024xf32, #tpu.memory_space<hbm>>
          %dma_wait3A_371 = tpu.memref_slice %arg4[%add3A_367] : memref<6553600xf32, #tpu.memory_space<hbm>> -> memref<1024xf32, #tpu.memory_space<hbm>>
          %dma_wait3A_372 = arith.constant 4096 : i32
          %dma_wait3A_373 = tpu.memref_slice %arg11[%dma_wait3A_372] : memref<8192xf32, #tpu.memory_space<vmem>> -> memref<1024xf32, #tpu.memory_space<vmem>>
          tpu.wait_dma2 semaphore(%arg15 : memref<!tpu.dma_semaphore, #tpu.memory_space<semaphore_mem>>) src(%dma_wait3A_373 : memref<1024xf32, #tpu.memory_space<vmem>>) dst(%dma_wait3A_371 : memref<1024xf32, #tpu.memory_space<hbm>>)
          %sub3A_374 = arith.constant 2 : i32
          %sub3A_375 = arith.subi %add3A_163, %sub3A_374 : i32
          %mul3A_376 = arith.constant 8 : i32
          %mul3A_377 = arith.muli %sub3A_375, %mul3A_376 : i32
          %add3A_378 = arith.constant 5 : i32
          %add3A_379 = arith.addi %mul3A_377, %add3A_378 : i32
          %mul3A_380 = arith.constant 32768 : i32
          %mul3A_381 = arith.muli %add3A_379, %mul3A_380 : i32
          %add3A_382 = arith.addi %mul3A_381, %mul3A_6 : i32
          %dma_wait3A_383 = arith.constant 5120 : i32
          %dma_wait3A_384 = tpu.memref_slice %arg11[%dma_wait3A_383] : memref<8192xf32, #tpu.memory_space<vmem>> -> memref<1024xf32, #tpu.memory_space<vmem>>
          %dma_wait3A_385 = tpu.memref_slice %arg4[%add3A_382] : memref<6553600xf32, #tpu.memory_space<hbm>> -> memref<1024xf32, #tpu.memory_space<hbm>>
          %dma_wait3A_386 = tpu.memref_slice %arg4[%add3A_382] : memref<6553600xf32, #tpu.memory_space<hbm>> -> memref<1024xf32, #tpu.memory_space<hbm>>
          %dma_wait3A_387 = arith.constant 5120 : i32
          %dma_wait3A_388 = tpu.memref_slice %arg11[%dma_wait3A_387] : memref<8192xf32, #tpu.memory_space<vmem>> -> memref<1024xf32, #tpu.memory_space<vmem>>
          tpu.wait_dma2 semaphore(%arg15 : memref<!tpu.dma_semaphore, #tpu.memory_space<semaphore_mem>>) src(%dma_wait3A_388 : memref<1024xf32, #tpu.memory_space<vmem>>) dst(%dma_wait3A_386 : memref<1024xf32, #tpu.memory_space<hbm>>)
          %sub3A_389 = arith.constant 2 : i32
          %sub3A_390 = arith.subi %add3A_163, %sub3A_389 : i32
          %mul3A_391 = arith.constant 8 : i32
          %mul3A_392 = arith.muli %sub3A_390, %mul3A_391 : i32
          %add3A_393 = arith.constant 6 : i32
          %add3A_394 = arith.addi %mul3A_392, %add3A_393 : i32
          %mul3A_395 = arith.constant 32768 : i32
          %mul3A_396 = arith.muli %add3A_394, %mul3A_395 : i32
          %add3A_397 = arith.addi %mul3A_396, %mul3A_6 : i32
          %dma_wait3A_398 = arith.constant 6144 : i32
          %dma_wait3A_399 = tpu.memref_slice %arg11[%dma_wait3A_398] : memref<8192xf32, #tpu.memory_space<vmem>> -> memref<1024xf32, #tpu.memory_space<vmem>>
          %dma_wait3A_400 = tpu.memref_slice %arg4[%add3A_397] : memref<6553600xf32, #tpu.memory_space<hbm>> -> memref<1024xf32, #tpu.memory_space<hbm>>
          %dma_wait3A_401 = tpu.memref_slice %arg4[%add3A_397] : memref<6553600xf32, #tpu.memory_space<hbm>> -> memref<1024xf32, #tpu.memory_space<hbm>>
          %dma_wait3A_402 = arith.constant 6144 : i32
          %dma_wait3A_403 = tpu.memref_slice %arg11[%dma_wait3A_402] : memref<8192xf32, #tpu.memory_space<vmem>> -> memref<1024xf32, #tpu.memory_space<vmem>>
          tpu.wait_dma2 semaphore(%arg15 : memref<!tpu.dma_semaphore, #tpu.memory_space<semaphore_mem>>) src(%dma_wait3A_403 : memref<1024xf32, #tpu.memory_space<vmem>>) dst(%dma_wait3A_401 : memref<1024xf32, #tpu.memory_space<hbm>>)
          %sub3A_404 = arith.constant 2 : i32
          %sub3A_405 = arith.subi %add3A_163, %sub3A_404 : i32
          %mul3A_406 = arith.constant 8 : i32
          %mul3A_407 = arith.muli %sub3A_405, %mul3A_406 : i32
          %add3A_408 = arith.constant 7 : i32
          %add3A_409 = arith.addi %mul3A_407, %add3A_408 : i32
          %mul3A_410 = arith.constant 32768 : i32
          %mul3A_411 = arith.muli %add3A_409, %mul3A_410 : i32
          %add3A_412 = arith.addi %mul3A_411, %mul3A_6 : i32
          %dma_wait3A_413 = arith.constant 7168 : i32
          %dma_wait3A_414 = tpu.memref_slice %arg11[%dma_wait3A_413] : memref<8192xf32, #tpu.memory_space<vmem>> -> memref<1024xf32, #tpu.memory_space<vmem>>
          %dma_wait3A_415 = tpu.memref_slice %arg4[%add3A_412] : memref<6553600xf32, #tpu.memory_space<hbm>> -> memref<1024xf32, #tpu.memory_space<hbm>>
          %dma_wait3A_416 = tpu.memref_slice %arg4[%add3A_412] : memref<6553600xf32, #tpu.memory_space<hbm>> -> memref<1024xf32, #tpu.memory_space<hbm>>
          %dma_wait3A_417 = arith.constant 7168 : i32
          %dma_wait3A_418 = tpu.memref_slice %arg11[%dma_wait3A_417] : memref<8192xf32, #tpu.memory_space<vmem>> -> memref<1024xf32, #tpu.memory_space<vmem>>
          tpu.wait_dma2 semaphore(%arg15 : memref<!tpu.dma_semaphore, #tpu.memory_space<semaphore_mem>>) src(%dma_wait3A_418 : memref<1024xf32, #tpu.memory_space<vmem>>) dst(%dma_wait3A_416 : memref<1024xf32, #tpu.memory_space<hbm>>)
        } else {
        }
        %parallel_loop3A = arith.constant 0 : i32
        %parallel_loop3A_187 = arith.constant 256 : i32
        %parallel_loop3A_188 = arith.constant 1 : i32
        scf.for %parallel_loop3A_300 = %parallel_loop3A to %parallel_loop3A_187 step %parallel_loop3A_188  : i32 {
          %parallel_loop3A_301 = arith.constant 5 : i32
          %parallel_loop3A_302 = arith.shrsi %parallel_loop3A_300, %parallel_loop3A_301 : i32
          %parallel_loop3A_303 = arith.constant 3 : i32
          %parallel_loop3A_304 = arith.shrsi %parallel_loop3A_300, %parallel_loop3A_303 : i32
          %parallel_loop3A_305 = arith.constant 3 : i32
          %parallel_loop3A_306 = arith.andi %parallel_loop3A_304, %parallel_loop3A_305 : i32
          %parallel_loop3A_307 = arith.constant 7 : i32
          %parallel_loop3A_308 = arith.andi %parallel_loop3A_300, %parallel_loop3A_307 : i32
          %parallel_loop3A_309 = arith.constant 1024 : i32
          %parallel_loop3A_310 = arith.muli %parallel_loop3A_306, %parallel_loop3A_309 : i32
          %parallel_loop3A_311 = arith.constant 128 : i32
          %parallel_loop3A_312 = arith.muli %parallel_loop3A_302, %parallel_loop3A_311 : i32
          %parallel_loop3A_313 = arith.addi %parallel_loop3A_310, %parallel_loop3A_312 : i32
          %parallel_loop3A_314 = arith.constant 16 : i32
          %parallel_loop3A_315 = arith.muli %parallel_loop3A_308, %parallel_loop3A_314 : i32
          %parallel_loop3A_316 = arith.addi %parallel_loop3A_313, %parallel_loop3A_315 : i32
          %parallel_loop3A_317 = arith.constant 1024 : i32
          %parallel_loop3A_318 = arith.muli %parallel_loop3A_302, %parallel_loop3A_317 : i32
          %parallel_loop3A_319 = arith.constant 256 : i32
          %parallel_loop3A_320 = arith.muli %parallel_loop3A_306, %parallel_loop3A_319 : i32
          %parallel_loop3A_321 = arith.addi %parallel_loop3A_318, %parallel_loop3A_320 : i32
          %parallel_loop3A_322 = arith.constant 16 : i32
          %parallel_loop3A_323 = arith.muli %parallel_loop3A_308, %parallel_loop3A_322 : i32
          %parallel_loop3A_324 = arith.addi %parallel_loop3A_321, %parallel_loop3A_323 : i32
          %parallel_loop3A_325 = arith.index_cast %parallel_loop3A_316 : i32 to index
          %parallel_loop3A_326 = tpu.vector_load %arg7[%parallel_loop3A_325] {strides = array<i32>} : memref<4096xi32, #tpu.memory_space<vmem>>, vector<16xi32>,
          %parallel_loop3A_327 = tpu.vector_load_idx %arg5[%parallel_loop3A_326] : memref<2560xf32, #tpu.memory_space<vmem>>[vector<16xi32>], vector<16xf32>,
          %parallel_loop3A_328 = arith.index_cast %parallel_loop3A_324 : i32 to index
          %parallel_loop3A_329 = tpu.vector_load %arg11[%parallel_loop3A_328] {strides = array<i32>} : memref<8192xf32, #tpu.memory_space<vmem>>, vector<16xf32>,
          tpu.vector_store %arg11[%parallel_loop3A_328], %parallel_loop3A_327 {strides = array<i32>} : memref<8192xf32, #tpu.memory_space<vmem>>, vector<16xf32>,
          %parallel_loop3A_330 = arith.index_cast %parallel_loop3A_316 : i32 to index
          %parallel_loop3A_331 = tpu.vector_load %arg9[%parallel_loop3A_330] {strides = array<i32>} : memref<4096xi32, #tpu.memory_space<vmem>>, vector<16xi32>,
          %parallel_loop3A_332 = tpu.vector_load_idx %arg5[%parallel_loop3A_331] : memref<2560xf32, #tpu.memory_space<vmem>>[vector<16xi32>], vector<16xf32>,
          %parallel_loop3A_333 = arith.constant 128 : i32
          %parallel_loop3A_334 = arith.addi %parallel_loop3A_324, %parallel_loop3A_333 : i32
          %parallel_loop3A_335 = arith.index_cast %parallel_loop3A_334 : i32 to index
          %parallel_loop3A_336 = tpu.vector_load %arg11[%parallel_loop3A_335] {strides = array<i32>} : memref<8192xf32, #tpu.memory_space<vmem>>, vector<16xf32>,
          tpu.vector_store %arg11[%parallel_loop3A_335], %parallel_loop3A_332 {strides = array<i32>} : memref<8192xf32, #tpu.memory_space<vmem>>, vector<16xf32>,
        } {sc.loop_unroll_factor = 4 : i64, sc.parallel_access}
        %mul3A_189 = arith.constant 8 : i32
        %mul3A_190 = arith.muli %add3A_163, %mul3A_189 : i32
        %add3A_191 = arith.constant 0 : i32
        %add3A_192 = arith.addi %mul3A_190, %add3A_191 : i32
        %mul3A_193 = arith.constant 32768 : i32
        %mul3A_194 = arith.muli %add3A_192, %mul3A_193 : i32
        %add3A_195 = arith.addi %mul3A_194, %mul3A_6 : i32
        %dma_start3A_196 = arith.constant 0 : i32
        %dma_start3A_197 = tpu.memref_slice %arg11[%dma_start3A_196] : memref<8192xf32, #tpu.memory_space<vmem>> -> memref<1024xf32, #tpu.memory_space<vmem>>
        %dma_start3A_198 = tpu.memref_slice %arg4[%add3A_195] : memref<6553600xf32, #tpu.memory_space<hbm>> -> memref<1024xf32, #tpu.memory_space<hbm>>
        %dma_start3A_199 = tpu.memref_slice %arg4[%add3A_195] : memref<6553600xf32, #tpu.memory_space<hbm>> -> memref<1024xf32, #tpu.memory_space<hbm>>
        %dma_start3A_200 = arith.constant 0 : i32
        %dma_start3A_201 = tpu.memref_slice %arg11[%dma_start3A_200] : memref<8192xf32, #tpu.memory_space<vmem>> -> memref<1024xf32, #tpu.memory_space<vmem>>
        tpu.enqueue_dma source(%dma_start3A_201 : memref<1024xf32, #tpu.memory_space<vmem>>) target(%dma_start3A_199 : memref<1024xf32, #tpu.memory_space<hbm>>) target_semaphore(%arg15 : memref<!tpu.dma_semaphore, #tpu.memory_space<semaphore_mem>>)
        %mul3A_202 = arith.constant 8 : i32
        %mul3A_203 = arith.muli %add3A_163, %mul3A_202 : i32
        %add3A_204 = arith.constant 1 : i32
        %add3A_205 = arith.addi %mul3A_203, %add3A_204 : i32
        %mul3A_206 = arith.constant 32768 : i32
        %mul3A_207 = arith.muli %add3A_205, %mul3A_206 : i32
        %add3A_208 = arith.addi %mul3A_207, %mul3A_6 : i32
        %dma_start3A_209 = arith.constant 1024 : i32
        %dma_start3A_210 = tpu.memref_slice %arg11[%dma_start3A_209] : memref<8192xf32, #tpu.memory_space<vmem>> -> memref<1024xf32, #tpu.memory_space<vmem>>
        %dma_start3A_211 = tpu.memref_slice %arg4[%add3A_208] : memref<6553600xf32, #tpu.memory_space<hbm>> -> memref<1024xf32, #tpu.memory_space<hbm>>
        %dma_start3A_212 = tpu.memref_slice %arg4[%add3A_208] : memref<6553600xf32, #tpu.memory_space<hbm>> -> memref<1024xf32, #tpu.memory_space<hbm>>
        %dma_start3A_213 = arith.constant 1024 : i32
        %dma_start3A_214 = tpu.memref_slice %arg11[%dma_start3A_213] : memref<8192xf32, #tpu.memory_space<vmem>> -> memref<1024xf32, #tpu.memory_space<vmem>>
        tpu.enqueue_dma source(%dma_start3A_214 : memref<1024xf32, #tpu.memory_space<vmem>>) target(%dma_start3A_212 : memref<1024xf32, #tpu.memory_space<hbm>>) target_semaphore(%arg15 : memref<!tpu.dma_semaphore, #tpu.memory_space<semaphore_mem>>)
        %mul3A_215 = arith.constant 8 : i32
        %mul3A_216 = arith.muli %add3A_163, %mul3A_215 : i32
        %add3A_217 = arith.constant 2 : i32
        %add3A_218 = arith.addi %mul3A_216, %add3A_217 : i32
        %mul3A_219 = arith.constant 32768 : i32
        %mul3A_220 = arith.muli %add3A_218, %mul3A_219 : i32
        %add3A_221 = arith.addi %mul3A_220, %mul3A_6 : i32
        %dma_start3A_222 = arith.constant 2048 : i32
        %dma_start3A_223 = tpu.memref_slice %arg11[%dma_start3A_222] : memref<8192xf32, #tpu.memory_space<vmem>> -> memref<1024xf32, #tpu.memory_space<vmem>>
        %dma_start3A_224 = tpu.memref_slice %arg4[%add3A_221] : memref<6553600xf32, #tpu.memory_space<hbm>> -> memref<1024xf32, #tpu.memory_space<hbm>>
        %dma_start3A_225 = tpu.memref_slice %arg4[%add3A_221] : memref<6553600xf32, #tpu.memory_space<hbm>> -> memref<1024xf32, #tpu.memory_space<hbm>>
        %dma_start3A_226 = arith.constant 2048 : i32
        %dma_start3A_227 = tpu.memref_slice %arg11[%dma_start3A_226] : memref<8192xf32, #tpu.memory_space<vmem>> -> memref<1024xf32, #tpu.memory_space<vmem>>
        tpu.enqueue_dma source(%dma_start3A_227 : memref<1024xf32, #tpu.memory_space<vmem>>) target(%dma_start3A_225 : memref<1024xf32, #tpu.memory_space<hbm>>) target_semaphore(%arg15 : memref<!tpu.dma_semaphore, #tpu.memory_space<semaphore_mem>>)
        %mul3A_228 = arith.constant 8 : i32
        %mul3A_229 = arith.muli %add3A_163, %mul3A_228 : i32
        %add3A_230 = arith.constant 3 : i32
        %add3A_231 = arith.addi %mul3A_229, %add3A_230 : i32
        %mul3A_232 = arith.constant 32768 : i32
        %mul3A_233 = arith.muli %add3A_231, %mul3A_232 : i32
        %add3A_234 = arith.addi %mul3A_233, %mul3A_6 : i32
        %dma_start3A_235 = arith.constant 3072 : i32
        %dma_start3A_236 = tpu.memref_slice %arg11[%dma_start3A_235] : memref<8192xf32, #tpu.memory_space<vmem>> -> memref<1024xf32, #tpu.memory_space<vmem>>
        %dma_start3A_237 = tpu.memref_slice %arg4[%add3A_234] : memref<6553600xf32, #tpu.memory_space<hbm>> -> memref<1024xf32, #tpu.memory_space<hbm>>
        %dma_start3A_238 = tpu.memref_slice %arg4[%add3A_234] : memref<6553600xf32, #tpu.memory_space<hbm>> -> memref<1024xf32, #tpu.memory_space<hbm>>
        %dma_start3A_239 = arith.constant 3072 : i32
        %dma_start3A_240 = tpu.memref_slice %arg11[%dma_start3A_239] : memref<8192xf32, #tpu.memory_space<vmem>> -> memref<1024xf32, #tpu.memory_space<vmem>>
        tpu.enqueue_dma source(%dma_start3A_240 : memref<1024xf32, #tpu.memory_space<vmem>>) target(%dma_start3A_238 : memref<1024xf32, #tpu.memory_space<hbm>>) target_semaphore(%arg15 : memref<!tpu.dma_semaphore, #tpu.memory_space<semaphore_mem>>)
        %mul3A_241 = arith.constant 8 : i32
        %mul3A_242 = arith.muli %add3A_163, %mul3A_241 : i32
        %add3A_243 = arith.constant 4 : i32
        %add3A_244 = arith.addi %mul3A_242, %add3A_243 : i32
        %mul3A_245 = arith.constant 32768 : i32
        %mul3A_246 = arith.muli %add3A_244, %mul3A_245 : i32
        %add3A_247 = arith.addi %mul3A_246, %mul3A_6 : i32
        %dma_start3A_248 = arith.constant 4096 : i32
        %dma_start3A_249 = tpu.memref_slice %arg11[%dma_start3A_248] : memref<8192xf32, #tpu.memory_space<vmem>> -> memref<1024xf32, #tpu.memory_space<vmem>>
        %dma_start3A_250 = tpu.memref_slice %arg4[%add3A_247] : memref<6553600xf32, #tpu.memory_space<hbm>> -> memref<1024xf32, #tpu.memory_space<hbm>>
        %dma_start3A_251 = tpu.memref_slice %arg4[%add3A_247] : memref<6553600xf32, #tpu.memory_space<hbm>> -> memref<1024xf32, #tpu.memory_space<hbm>>
        %dma_start3A_252 = arith.constant 4096 : i32
        %dma_start3A_253 = tpu.memref_slice %arg11[%dma_start3A_252] : memref<8192xf32, #tpu.memory_space<vmem>> -> memref<1024xf32, #tpu.memory_space<vmem>>
        tpu.enqueue_dma source(%dma_start3A_253 : memref<1024xf32, #tpu.memory_space<vmem>>) target(%dma_start3A_251 : memref<1024xf32, #tpu.memory_space<hbm>>) target_semaphore(%arg15 : memref<!tpu.dma_semaphore, #tpu.memory_space<semaphore_mem>>)
        %mul3A_254 = arith.constant 8 : i32
        %mul3A_255 = arith.muli %add3A_163, %mul3A_254 : i32
        %add3A_256 = arith.constant 5 : i32
        %add3A_257 = arith.addi %mul3A_255, %add3A_256 : i32
        %mul3A_258 = arith.constant 32768 : i32
        %mul3A_259 = arith.muli %add3A_257, %mul3A_258 : i32
        %add3A_260 = arith.addi %mul3A_259, %mul3A_6 : i32
        %dma_start3A_261 = arith.constant 5120 : i32
        %dma_start3A_262 = tpu.memref_slice %arg11[%dma_start3A_261] : memref<8192xf32, #tpu.memory_space<vmem>> -> memref<1024xf32, #tpu.memory_space<vmem>>
        %dma_start3A_263 = tpu.memref_slice %arg4[%add3A_260] : memref<6553600xf32, #tpu.memory_space<hbm>> -> memref<1024xf32, #tpu.memory_space<hbm>>
        %dma_start3A_264 = tpu.memref_slice %arg4[%add3A_260] : memref<6553600xf32, #tpu.memory_space<hbm>> -> memref<1024xf32, #tpu.memory_space<hbm>>
        %dma_start3A_265 = arith.constant 5120 : i32
        %dma_start3A_266 = tpu.memref_slice %arg11[%dma_start3A_265] : memref<8192xf32, #tpu.memory_space<vmem>> -> memref<1024xf32, #tpu.memory_space<vmem>>
        tpu.enqueue_dma source(%dma_start3A_266 : memref<1024xf32, #tpu.memory_space<vmem>>) target(%dma_start3A_264 : memref<1024xf32, #tpu.memory_space<hbm>>) target_semaphore(%arg15 : memref<!tpu.dma_semaphore, #tpu.memory_space<semaphore_mem>>)
        %mul3A_267 = arith.constant 8 : i32
        %mul3A_268 = arith.muli %add3A_163, %mul3A_267 : i32
        %add3A_269 = arith.constant 6 : i32
        %add3A_270 = arith.addi %mul3A_268, %add3A_269 : i32
        %mul3A_271 = arith.constant 32768 : i32
        %mul3A_272 = arith.muli %add3A_270, %mul3A_271 : i32
        %add3A_273 = arith.addi %mul3A_272, %mul3A_6 : i32
        %dma_start3A_274 = arith.constant 6144 : i32
        %dma_start3A_275 = tpu.memref_slice %arg11[%dma_start3A_274] : memref<8192xf32, #tpu.memory_space<vmem>> -> memref<1024xf32, #tpu.memory_space<vmem>>
        %dma_start3A_276 = tpu.memref_slice %arg4[%add3A_273] : memref<6553600xf32, #tpu.memory_space<hbm>> -> memref<1024xf32, #tpu.memory_space<hbm>>
        %dma_start3A_277 = tpu.memref_slice %arg4[%add3A_273] : memref<6553600xf32, #tpu.memory_space<hbm>> -> memref<1024xf32, #tpu.memory_space<hbm>>
        %dma_start3A_278 = arith.constant 6144 : i32
        %dma_start3A_279 = tpu.memref_slice %arg11[%dma_start3A_278] : memref<8192xf32, #tpu.memory_space<vmem>> -> memref<1024xf32, #tpu.memory_space<vmem>>
        tpu.enqueue_dma source(%dma_start3A_279 : memref<1024xf32, #tpu.memory_space<vmem>>) target(%dma_start3A_277 : memref<1024xf32, #tpu.memory_space<hbm>>) target_semaphore(%arg15 : memref<!tpu.dma_semaphore, #tpu.memory_space<semaphore_mem>>)
        %mul3A_280 = arith.constant 8 : i32
        %mul3A_281 = arith.muli %add3A_163, %mul3A_280 : i32
        %add3A_282 = arith.constant 7 : i32
        %add3A_283 = arith.addi %mul3A_281, %add3A_282 : i32
        %mul3A_284 = arith.constant 32768 : i32
        %mul3A_285 = arith.muli %add3A_283, %mul3A_284 : i32
        %add3A_286 = arith.addi %mul3A_285, %mul3A_6 : i32
        %dma_start3A_287 = arith.constant 7168 : i32
        %dma_start3A_288 = tpu.memref_slice %arg11[%dma_start3A_287] : memref<8192xf32, #tpu.memory_space<vmem>> -> memref<1024xf32, #tpu.memory_space<vmem>>
        %dma_start3A_289 = tpu.memref_slice %arg4[%add3A_286] : memref<6553600xf32, #tpu.memory_space<hbm>> -> memref<1024xf32, #tpu.memory_space<hbm>>
        %dma_start3A_290 = tpu.memref_slice %arg4[%add3A_286] : memref<6553600xf32, #tpu.memory_space<hbm>> -> memref<1024xf32, #tpu.memory_space<hbm>>
        %dma_start3A_291 = arith.constant 7168 : i32
        %dma_start3A_292 = tpu.memref_slice %arg11[%dma_start3A_291] : memref<8192xf32, #tpu.memory_space<vmem>> -> memref<1024xf32, #tpu.memory_space<vmem>>
        tpu.enqueue_dma source(%dma_start3A_292 : memref<1024xf32, #tpu.memory_space<vmem>>) target(%dma_start3A_290 : memref<1024xf32, #tpu.memory_space<hbm>>) target_semaphore(%arg15 : memref<!tpu.dma_semaphore, #tpu.memory_space<semaphore_mem>>)
        %add3A_293 = arith.constant 2 : i32
        %add3A_294 = arith.addi %add3A_163, %add3A_293 : i32
        %lt3A_295 = arith.constant 25 : i32
        %lt3A_296 = arith.cmpi slt, %add3A_294, %lt3A_295 : i32
        %convert_element_type3A_297 = arith.extui %lt3A_296 : i1 to i32
        %cond3A_298 = arith.constant 0 : i32
        %cond3A_299 = arith.cmpi ne, %convert_element_type3A_297, %cond3A_298 : i32
        scf.if %cond3A_299 {
          %add3A_300 = arith.constant 2 : i32
          %add3A_301 = arith.addi %add3A_163, %add3A_300 : i32
          %mul3A_302 = arith.constant 131072 : i32
          %mul3A_303 = arith.muli %add3A_301, %mul3A_302 : i32
          %add3A_304 = arith.constant 3276800 : i32
          %add3A_305 = arith.addi %add3A_304, %mul3A_303 : i32
          %add3A_306 = arith.addi %add3A_305, %mul3A_2 : i32
          %dma_start3A_307 = tpu.memref_slice %arg3[%add3A_306] : memref<19660800xi32, #tpu.memory_space<hbm>> -> memref<4096xi32, #tpu.memory_space<hbm>>
          %dma_start3A_308 = tpu.memref_slice %arg3[%add3A_306] : memref<19660800xi32, #tpu.memory_space<hbm>> -> memref<4096xi32, #tpu.memory_space<hbm>>
          tpu.enqueue_dma source(%dma_start3A_308 : memref<4096xi32, #tpu.memory_space<hbm>>) target(%arg7 : memref<4096xi32, #tpu.memory_space<vmem>>) target_semaphore(%arg13 : memref<!tpu.dma_semaphore, #tpu.memory_space<semaphore_mem>>)
          %add3A_309 = arith.constant 2 : i32
          %add3A_310 = arith.addi %add3A_163, %add3A_309 : i32
          %mul3A_311 = arith.constant 131072 : i32
          %mul3A_312 = arith.muli %add3A_310, %mul3A_311 : i32
          %add3A_313 = arith.constant 6553600 : i32
          %add3A_314 = arith.addi %add3A_313, %mul3A_312 : i32
          %add3A_315 = arith.addi %add3A_314, %mul3A_2 : i32
          %dma_start3A_316 = tpu.memref_slice %arg3[%add3A_315] : memref<19660800xi32, #tpu.memory_space<hbm>> -> memref<4096xi32, #tpu.memory_space<hbm>>
          %dma_start3A_317 = tpu.memref_slice %arg3[%add3A_315] : memref<19660800xi32, #tpu.memory_space<hbm>> -> memref<4096xi32, #tpu.memory_space<hbm>>
          tpu.enqueue_dma source(%dma_start3A_317 : memref<4096xi32, #tpu.memory_space<hbm>>) target(%arg9 : memref<4096xi32, #tpu.memory_space<vmem>>) target_semaphore(%arg13 : memref<!tpu.dma_semaphore, #tpu.memory_space<semaphore_mem>>)
        } else {
        }
      } else {
      }
    }
    %scan3A_25 = arith.constant 13 : i32
    %add3A_26 = arith.constant 6029312 : i32
    %add3A_27 = arith.addi %add3A_26, %mul3A_6 : i32
    %dma_wait3A = arith.constant 0 : i32
    %dma_wait3A_28 = tpu.memref_slice %arg11[%dma_wait3A] : memref<8192xf32, #tpu.memory_space<vmem>> -> memref<1024xf32, #tpu.memory_space<vmem>>
    %dma_wait3A_29 = tpu.memref_slice %arg4[%add3A_27] : memref<6553600xf32, #tpu.memory_space<hbm>> -> memref<1024xf32, #tpu.memory_space<hbm>>
    %dma_wait3A_30 = tpu.memref_slice %arg4[%add3A_27] : memref<6553600xf32, #tpu.memory_space<hbm>> -> memref<1024xf32, #tpu.memory_space<hbm>>
    %dma_wait3A_31 = arith.constant 0 : i32
    %dma_wait3A_32 = tpu.memref_slice %arg11[%dma_wait3A_31] : memref<8192xf32, #tpu.memory_space<vmem>> -> memref<1024xf32, #tpu.memory_space<vmem>>
    tpu.wait_dma2 semaphore(%arg15 : memref<!tpu.dma_semaphore, #tpu.memory_space<semaphore_mem>>) src(%dma_wait3A_32 : memref<1024xf32, #tpu.memory_space<vmem>>) dst(%dma_wait3A_30 : memref<1024xf32, #tpu.memory_space<hbm>>)
    %add3A_33 = arith.constant 6291456 : i32
    %add3A_34 = arith.addi %add3A_33, %mul3A_6 : i32
    %dma_wait3A_35 = arith.constant 0 : i32
    %dma_wait3A_36 = tpu.memref_slice %arg10[%dma_wait3A_35] : memref<8192xf32, #tpu.memory_space<vmem>> -> memref<1024xf32, #tpu.memory_space<vmem>>
    %dma_wait3A_37 = tpu.memref_slice %arg4[%add3A_34] : memref<6553600xf32, #tpu.memory_space<hbm>> -> memref<1024xf32, #tpu.memory_space<hbm>>
    %dma_wait3A_38 = tpu.memref_slice %arg4[%add3A_34] : memref<6553600xf32, #tpu.memory_space<hbm>> -> memref<1024xf32, #tpu.memory_space<hbm>>
    %dma_wait3A_39 = arith.constant 0 : i32
    %dma_wait3A_40 = tpu.memref_slice %arg10[%dma_wait3A_39] : memref<8192xf32, #tpu.memory_space<vmem>> -> memref<1024xf32, #tpu.memory_space<vmem>>
    tpu.wait_dma2 semaphore(%arg14 : memref<!tpu.dma_semaphore, #tpu.memory_space<semaphore_mem>>) src(%dma_wait3A_40 : memref<1024xf32, #tpu.memory_space<vmem>>) dst(%dma_wait3A_38 : memref<1024xf32, #tpu.memory_space<hbm>>)
    %add3A_41 = arith.constant 6062080 : i32
    %add3A_42 = arith.addi %add3A_41, %mul3A_6 : i32
    %dma_wait3A_43 = arith.constant 1024 : i32
    %dma_wait3A_44 = tpu.memref_slice %arg11[%dma_wait3A_43] : memref<8192xf32, #tpu.memory_space<vmem>> -> memref<1024xf32, #tpu.memory_space<vmem>>
    %dma_wait3A_45 = tpu.memref_slice %arg4[%add3A_42] : memref<6553600xf32, #tpu.memory_space<hbm>> -> memref<1024xf32, #tpu.memory_space<hbm>>
    %dma_wait3A_46 = tpu.memref_slice %arg4[%add3A_42] : memref<6553600xf32, #tpu.memory_space<hbm>> -> memref<1024xf32, #tpu.memory_space<hbm>>
    %dma_wait3A_47 = arith.constant 1024 : i32
    %dma_wait3A_48 = tpu.memref_slice %arg11[%dma_wait3A_47] : memref<8192xf32, #tpu.memory_space<vmem>> -> memref<1024xf32, #tpu.memory_space<vmem>>
    tpu.wait_dma2 semaphore(%arg15 : memref<!tpu.dma_semaphore, #tpu.memory_space<semaphore_mem>>) src(%dma_wait3A_48 : memref<1024xf32, #tpu.memory_space<vmem>>) dst(%dma_wait3A_46 : memref<1024xf32, #tpu.memory_space<hbm>>)
    %add3A_49 = arith.constant 6324224 : i32
    %add3A_50 = arith.addi %add3A_49, %mul3A_6 : i32
    %dma_wait3A_51 = arith.constant 1024 : i32
    %dma_wait3A_52 = tpu.memref_slice %arg10[%dma_wait3A_51] : memref<8192xf32, #tpu.memory_space<vmem>> -> memref<1024xf32, #tpu.memory_space<vmem>>
    %dma_wait3A_53 = tpu.memref_slice %arg4[%add3A_50] : memref<6553600xf32, #tpu.memory_space<hbm>> -> memref<1024xf32, #tpu.memory_space<hbm>>
    %dma_wait3A_54 = tpu.memref_slice %arg4[%add3A_50] : memref<6553600xf32, #tpu.memory_space<hbm>> -> memref<1024xf32, #tpu.memory_space<hbm>>
    %dma_wait3A_55 = arith.constant 1024 : i32
    %dma_wait3A_56 = tpu.memref_slice %arg10[%dma_wait3A_55] : memref<8192xf32, #tpu.memory_space<vmem>> -> memref<1024xf32, #tpu.memory_space<vmem>>
    tpu.wait_dma2 semaphore(%arg14 : memref<!tpu.dma_semaphore, #tpu.memory_space<semaphore_mem>>) src(%dma_wait3A_56 : memref<1024xf32, #tpu.memory_space<vmem>>) dst(%dma_wait3A_54 : memref<1024xf32, #tpu.memory_space<hbm>>)
    %add3A_57 = arith.constant 6094848 : i32
    %add3A_58 = arith.addi %add3A_57, %mul3A_6 : i32
    %dma_wait3A_59 = arith.constant 2048 : i32
    %dma_wait3A_60 = tpu.memref_slice %arg11[%dma_wait3A_59] : memref<8192xf32, #tpu.memory_space<vmem>> -> memref<1024xf32, #tpu.memory_space<vmem>>
    %dma_wait3A_61 = tpu.memref_slice %arg4[%add3A_58] : memref<6553600xf32, #tpu.memory_space<hbm>> -> memref<1024xf32, #tpu.memory_space<hbm>>
    %dma_wait3A_62 = tpu.memref_slice %arg4[%add3A_58] : memref<6553600xf32, #tpu.memory_space<hbm>> -> memref<1024xf32, #tpu.memory_space<hbm>>
    %dma_wait3A_63 = arith.constant 2048 : i32
    %dma_wait3A_64 = tpu.memref_slice %arg11[%dma_wait3A_63] : memref<8192xf32, #tpu.memory_space<vmem>> -> memref<1024xf32, #tpu.memory_space<vmem>>
    tpu.wait_dma2 semaphore(%arg15 : memref<!tpu.dma_semaphore, #tpu.memory_space<semaphore_mem>>) src(%dma_wait3A_64 : memref<1024xf32, #tpu.memory_space<vmem>>) dst(%dma_wait3A_62 : memref<1024xf32, #tpu.memory_space<hbm>>)
    %add3A_65 = arith.constant 6356992 : i32
    %add3A_66 = arith.addi %add3A_65, %mul3A_6 : i32
    %dma_wait3A_67 = arith.constant 2048 : i32
    %dma_wait3A_68 = tpu.memref_slice %arg10[%dma_wait3A_67] : memref<8192xf32, #tpu.memory_space<vmem>> -> memref<1024xf32, #tpu.memory_space<vmem>>
    %dma_wait3A_69 = tpu.memref_slice %arg4[%add3A_66] : memref<6553600xf32, #tpu.memory_space<hbm>> -> memref<1024xf32, #tpu.memory_space<hbm>>
    %dma_wait3A_70 = tpu.memref_slice %arg4[%add3A_66] : memref<6553600xf32, #tpu.memory_space<hbm>> -> memref<1024xf32, #tpu.memory_space<hbm>>
    %dma_wait3A_71 = arith.constant 2048 : i32
    %dma_wait3A_72 = tpu.memref_slice %arg10[%dma_wait3A_71] : memref<8192xf32, #tpu.memory_space<vmem>> -> memref<1024xf32, #tpu.memory_space<vmem>>
    tpu.wait_dma2 semaphore(%arg14 : memref<!tpu.dma_semaphore, #tpu.memory_space<semaphore_mem>>) src(%dma_wait3A_72 : memref<1024xf32, #tpu.memory_space<vmem>>) dst(%dma_wait3A_70 : memref<1024xf32, #tpu.memory_space<hbm>>)
    %add3A_73 = arith.constant 6127616 : i32
    %add3A_74 = arith.addi %add3A_73, %mul3A_6 : i32
    %dma_wait3A_75 = arith.constant 3072 : i32
    %dma_wait3A_76 = tpu.memref_slice %arg11[%dma_wait3A_75] : memref<8192xf32, #tpu.memory_space<vmem>> -> memref<1024xf32, #tpu.memory_space<vmem>>
    %dma_wait3A_77 = tpu.memref_slice %arg4[%add3A_74] : memref<6553600xf32, #tpu.memory_space<hbm>> -> memref<1024xf32, #tpu.memory_space<hbm>>
    %dma_wait3A_78 = tpu.memref_slice %arg4[%add3A_74] : memref<6553600xf32, #tpu.memory_space<hbm>> -> memref<1024xf32, #tpu.memory_space<hbm>>
    %dma_wait3A_79 = arith.constant 3072 : i32
    %dma_wait3A_80 = tpu.memref_slice %arg11[%dma_wait3A_79] : memref<8192xf32, #tpu.memory_space<vmem>> -> memref<1024xf32, #tpu.memory_space<vmem>>
    tpu.wait_dma2 semaphore(%arg15 : memref<!tpu.dma_semaphore, #tpu.memory_space<semaphore_mem>>) src(%dma_wait3A_80 : memref<1024xf32, #tpu.memory_space<vmem>>) dst(%dma_wait3A_78 : memref<1024xf32, #tpu.memory_space<hbm>>)
    %add3A_81 = arith.constant 6389760 : i32
    %add3A_82 = arith.addi %add3A_81, %mul3A_6 : i32
    %dma_wait3A_83 = arith.constant 3072 : i32
    %dma_wait3A_84 = tpu.memref_slice %arg10[%dma_wait3A_83] : memref<8192xf32, #tpu.memory_space<vmem>> -> memref<1024xf32, #tpu.memory_space<vmem>>
    %dma_wait3A_85 = tpu.memref_slice %arg4[%add3A_82] : memref<6553600xf32, #tpu.memory_space<hbm>> -> memref<1024xf32, #tpu.memory_space<hbm>>
    %dma_wait3A_86 = tpu.memref_slice %arg4[%add3A_82] : memref<6553600xf32, #tpu.memory_space<hbm>> -> memref<1024xf32, #tpu.memory_space<hbm>>
    %dma_wait3A_87 = arith.constant 3072 : i32
    %dma_wait3A_88 = tpu.memref_slice %arg10[%dma_wait3A_87] : memref<8192xf32, #tpu.memory_space<vmem>> -> memref<1024xf32, #tpu.memory_space<vmem>>
    tpu.wait_dma2 semaphore(%arg14 : memref<!tpu.dma_semaphore, #tpu.memory_space<semaphore_mem>>) src(%dma_wait3A_88 : memref<1024xf32, #tpu.memory_space<vmem>>) dst(%dma_wait3A_86 : memref<1024xf32, #tpu.memory_space<hbm>>)
    %add3A_89 = arith.constant 6160384 : i32
    %add3A_90 = arith.addi %add3A_89, %mul3A_6 : i32
    %dma_wait3A_91 = arith.constant 4096 : i32
    %dma_wait3A_92 = tpu.memref_slice %arg11[%dma_wait3A_91] : memref<8192xf32, #tpu.memory_space<vmem>> -> memref<1024xf32, #tpu.memory_space<vmem>>
    %dma_wait3A_93 = tpu.memref_slice %arg4[%add3A_90] : memref<6553600xf32, #tpu.memory_space<hbm>> -> memref<1024xf32, #tpu.memory_space<hbm>>
    %dma_wait3A_94 = tpu.memref_slice %arg4[%add3A_90] : memref<6553600xf32, #tpu.memory_space<hbm>> -> memref<1024xf32, #tpu.memory_space<hbm>>
    %dma_wait3A_95 = arith.constant 4096 : i32
    %dma_wait3A_96 = tpu.memref_slice %arg11[%dma_wait3A_95] : memref<8192xf32, #tpu.memory_space<vmem>> -> memref<1024xf32, #tpu.memory_space<vmem>>
    tpu.wait_dma2 semaphore(%arg15 : memref<!tpu.dma_semaphore, #tpu.memory_space<semaphore_mem>>) src(%dma_wait3A_96 : memref<1024xf32, #tpu.memory_space<vmem>>) dst(%dma_wait3A_94 : memref<1024xf32, #tpu.memory_space<hbm>>)
    %add3A_97 = arith.constant 6422528 : i32
    %add3A_98 = arith.addi %add3A_97, %mul3A_6 : i32
    %dma_wait3A_99 = arith.constant 4096 : i32
    %dma_wait3A_100 = tpu.memref_slice %arg10[%dma_wait3A_99] : memref<8192xf32, #tpu.memory_space<vmem>> -> memref<1024xf32, #tpu.memory_space<vmem>>
    %dma_wait3A_101 = tpu.memref_slice %arg4[%add3A_98] : memref<6553600xf32, #tpu.memory_space<hbm>> -> memref<1024xf32, #tpu.memory_space<hbm>>
    %dma_wait3A_102 = tpu.memref_slice %arg4[%add3A_98] : memref<6553600xf32, #tpu.memory_space<hbm>> -> memref<1024xf32, #tpu.memory_space<hbm>>
    %dma_wait3A_103 = arith.constant 4096 : i32
    %dma_wait3A_104 = tpu.memref_slice %arg10[%dma_wait3A_103] : memref<8192xf32, #tpu.memory_space<vmem>> -> memref<1024xf32, #tpu.memory_space<vmem>>
    tpu.wait_dma2 semaphore(%arg14 : memref<!tpu.dma_semaphore, #tpu.memory_space<semaphore_mem>>) src(%dma_wait3A_104 : memref<1024xf32, #tpu.memory_space<vmem>>) dst(%dma_wait3A_102 : memref<1024xf32, #tpu.memory_space<hbm>>)
    %add3A_105 = arith.constant 6193152 : i32
    %add3A_106 = arith.addi %add3A_105, %mul3A_6 : i32
    %dma_wait3A_107 = arith.constant 5120 : i32
    %dma_wait3A_108 = tpu.memref_slice %arg11[%dma_wait3A_107] : memref<8192xf32, #tpu.memory_space<vmem>> -> memref<1024xf32, #tpu.memory_space<vmem>>
    %dma_wait3A_109 = tpu.memref_slice %arg4[%add3A_106] : memref<6553600xf32, #tpu.memory_space<hbm>> -> memref<1024xf32, #tpu.memory_space<hbm>>
    %dma_wait3A_110 = tpu.memref_slice %arg4[%add3A_106] : memref<6553600xf32, #tpu.memory_space<hbm>> -> memref<1024xf32, #tpu.memory_space<hbm>>
    %dma_wait3A_111 = arith.constant 5120 : i32
    %dma_wait3A_112 = tpu.memref_slice %arg11[%dma_wait3A_111] : memref<8192xf32, #tpu.memory_space<vmem>> -> memref<1024xf32, #tpu.memory_space<vmem>>
    tpu.wait_dma2 semaphore(%arg15 : memref<!tpu.dma_semaphore, #tpu.memory_space<semaphore_mem>>) src(%dma_wait3A_112 : memref<1024xf32, #tpu.memory_space<vmem>>) dst(%dma_wait3A_110 : memref<1024xf32, #tpu.memory_space<hbm>>)
    %add3A_113 = arith.constant 6455296 : i32
    %add3A_114 = arith.addi %add3A_113, %mul3A_6 : i32
    %dma_wait3A_115 = arith.constant 5120 : i32
    %dma_wait3A_116 = tpu.memref_slice %arg10[%dma_wait3A_115] : memref<8192xf32, #tpu.memory_space<vmem>> -> memref<1024xf32, #tpu.memory_space<vmem>>
    %dma_wait3A_117 = tpu.memref_slice %arg4[%add3A_114] : memref<6553600xf32, #tpu.memory_space<hbm>> -> memref<1024xf32, #tpu.memory_space<hbm>>
    %dma_wait3A_118 = tpu.memref_slice %arg4[%add3A_114] : memref<6553600xf32, #tpu.memory_space<hbm>> -> memref<1024xf32, #tpu.memory_space<hbm>>
    %dma_wait3A_119 = arith.constant 5120 : i32
    %dma_wait3A_120 = tpu.memref_slice %arg10[%dma_wait3A_119] : memref<8192xf32, #tpu.memory_space<vmem>> -> memref<1024xf32, #tpu.memory_space<vmem>>
    tpu.wait_dma2 semaphore(%arg14 : memref<!tpu.dma_semaphore, #tpu.memory_space<semaphore_mem>>) src(%dma_wait3A_120 : memref<1024xf32, #tpu.memory_space<vmem>>) dst(%dma_wait3A_118 : memref<1024xf32, #tpu.memory_space<hbm>>)
    %add3A_121 = arith.constant 6225920 : i32
    %add3A_122 = arith.addi %add3A_121, %mul3A_6 : i32
    %dma_wait3A_123 = arith.constant 6144 : i32
    %dma_wait3A_124 = tpu.memref_slice %arg11[%dma_wait3A_123] : memref<8192xf32, #tpu.memory_space<vmem>> -> memref<1024xf32, #tpu.memory_space<vmem>>
    %dma_wait3A_125 = tpu.memref_slice %arg4[%add3A_122] : memref<6553600xf32, #tpu.memory_space<hbm>> -> memref<1024xf32, #tpu.memory_space<hbm>>
    %dma_wait3A_126 = tpu.memref_slice %arg4[%add3A_122] : memref<6553600xf32, #tpu.memory_space<hbm>> -> memref<1024xf32, #tpu.memory_space<hbm>>
    %dma_wait3A_127 = arith.constant 6144 : i32
    %dma_wait3A_128 = tpu.memref_slice %arg11[%dma_wait3A_127] : memref<8192xf32, #tpu.memory_space<vmem>> -> memref<1024xf32, #tpu.memory_space<vmem>>
    tpu.wait_dma2 semaphore(%arg15 : memref<!tpu.dma_semaphore, #tpu.memory_space<semaphore_mem>>) src(%dma_wait3A_128 : memref<1024xf32, #tpu.memory_space<vmem>>) dst(%dma_wait3A_126 : memref<1024xf32, #tpu.memory_space<hbm>>)
    %add3A_129 = arith.constant 6488064 : i32
    %add3A_130 = arith.addi %add3A_129, %mul3A_6 : i32
    %dma_wait3A_131 = arith.constant 6144 : i32
    %dma_wait3A_132 = tpu.memref_slice %arg10[%dma_wait3A_131] : memref<8192xf32, #tpu.memory_space<vmem>> -> memref<1024xf32, #tpu.memory_space<vmem>>
    %dma_wait3A_133 = tpu.memref_slice %arg4[%add3A_130] : memref<6553600xf32, #tpu.memory_space<hbm>> -> memref<1024xf32, #tpu.memory_space<hbm>>
    %dma_wait3A_134 = tpu.memref_slice %arg4[%add3A_130] : memref<6553600xf32, #tpu.memory_space<hbm>> -> memref<1024xf32, #tpu.memory_space<hbm>>
    %dma_wait3A_135 = arith.constant 6144 : i32
    %dma_wait3A_136 = tpu.memref_slice %arg10[%dma_wait3A_135] : memref<8192xf32, #tpu.memory_space<vmem>> -> memref<1024xf32, #tpu.memory_space<vmem>>
    tpu.wait_dma2 semaphore(%arg14 : memref<!tpu.dma_semaphore, #tpu.memory_space<semaphore_mem>>) src(%dma_wait3A_136 : memref<1024xf32, #tpu.memory_space<vmem>>) dst(%dma_wait3A_134 : memref<1024xf32, #tpu.memory_space<hbm>>)
    %add3A_137 = arith.constant 6258688 : i32
    %add3A_138 = arith.addi %add3A_137, %mul3A_6 : i32
    %dma_wait3A_139 = arith.constant 7168 : i32
    %dma_wait3A_140 = tpu.memref_slice %arg11[%dma_wait3A_139] : memref<8192xf32, #tpu.memory_space<vmem>> -> memref<1024xf32, #tpu.memory_space<vmem>>
    %dma_wait3A_141 = tpu.memref_slice %arg4[%add3A_138] : memref<6553600xf32, #tpu.memory_space<hbm>> -> memref<1024xf32, #tpu.memory_space<hbm>>
    %dma_wait3A_142 = tpu.memref_slice %arg4[%add3A_138] : memref<6553600xf32, #tpu.memory_space<hbm>> -> memref<1024xf32, #tpu.memory_space<hbm>>
    %dma_wait3A_143 = arith.constant 7168 : i32
    %dma_wait3A_144 = tpu.memref_slice %arg11[%dma_wait3A_143] : memref<8192xf32, #tpu.memory_space<vmem>> -> memref<1024xf32, #tpu.memory_space<vmem>>
    tpu.wait_dma2 semaphore(%arg15 : memref<!tpu.dma_semaphore, #tpu.memory_space<semaphore_mem>>) src(%dma_wait3A_144 : memref<1024xf32, #tpu.memory_space<vmem>>) dst(%dma_wait3A_142 : memref<1024xf32, #tpu.memory_space<hbm>>)
    %add3A_145 = arith.constant 6520832 : i32
    %add3A_146 = arith.addi %add3A_145, %mul3A_6 : i32
    %dma_wait3A_147 = arith.constant 7168 : i32
    %dma_wait3A_148 = tpu.memref_slice %arg10[%dma_wait3A_147] : memref<8192xf32, #tpu.memory_space<vmem>> -> memref<1024xf32, #tpu.memory_space<vmem>>
    %dma_wait3A_149 = tpu.memref_slice %arg4[%add3A_146] : memref<6553600xf32, #tpu.memory_space<hbm>> -> memref<1024xf32, #tpu.memory_space<hbm>>
    %dma_wait3A_150 = tpu.memref_slice %arg4[%add3A_146] : memref<6553600xf32, #tpu.memory_space<hbm>> -> memref<1024xf32, #tpu.memory_space<hbm>>
    %dma_wait3A_151 = arith.constant 7168 : i32
    %dma_wait3A_152 = tpu.memref_slice %arg10[%dma_wait3A_151] : memref<8192xf32, #tpu.memory_space<vmem>> -> memref<1024xf32, #tpu.memory_space<vmem>>
    tpu.wait_dma2 semaphore(%arg14 : memref<!tpu.dma_semaphore, #tpu.memory_space<semaphore_mem>>) src(%dma_wait3A_152 : memref<1024xf32, #tpu.memory_space<vmem>>) dst(%dma_wait3A_150 : memref<1024xf32, #tpu.memory_space<hbm>>)
    return
  }
}

</mosaic_0001>

<sc_bundles>
// kernel: kernel.3.cloned.1.call-start
scs
__scs_entry_jumppad:
0x0: {  	(pc) =	sbr.rel $0x88, $3  }
0x1: {  	(tag) =	ssettag $0x0;
	lr =	simm.s32 $0x1  }
0x2: {  	[smem:$0x3F9F] =	sst lr;
	_ =	strace $0xD0000000  }
0x3: {  	_ = 	snop  }
0x4: {  	_ = 	snop  }
0x5: {  	_ = 	snop  }
0x6: {  	_ = 	snop  }
0x7: {  	_ = 	snop  }
__scs_overlays_trampoline_lowered:
0x8: {  	[smem:$0x3FAE] =	sst s0  }
0x9: {  	[smem:$0x3FAF] =	sst s1  }
0xa: {  	[smem:$0x3FB0] =	sst s2  }
0xb: {  	[smem:$0x3FB1] =	sst s3  }
0xc: {  	[smem:$0x3FB2] =	sst s4  }
0xd: {  	[smem:$0x3FB3] =	sst s5  }
0xe: {  	[smem:$0x3FB4] =	sst s6  }
0xf: {  	[smem:$0x3FB5] =	sst s7  }
0x10: {  	[smem:$0x3FB6] =	sst s8  }
0x11: {  	[smem:$0x3FB7] =	sst s9;
	s0 =	simm.s32 @!p0 $0x0  }
0x12: {  	s1 =	sld [smem:$0x3F9D];
	s0 =	simm.s32 @p0 $0x1  }
0x13: {  	[smem:$0x3FB8] =	sst s0;
	s0 =	simm.s32 @!p1 $0x0  }
0x14: {  	s2 =	sld [smem:$0x3F9C];
	s0 =	simm.s32 @p1 $0x1  }
0x15: {  	[smem:$0x3FB9] =	sst s0;
	s0 =	simm.s32 @!p2 $0x0  }
0x16: {  	s3 =	sld [smem:$0x3FDB];
	s0 =	simm.s32 @p2 $0x1  }
0x17: {  	s4 =	simm.s32 $0x1BF5;
	[smem:$0x3FBB] =	sst s0  }
0x18: {  	s0 =	sld [smem:$0x3F9E];
	_ =	swait.ge [sflag:s4], $0x0  }
0x19: {  	s7 =	sld [smem:$0x3F9F]  }
0x1a: {  	s8 =	sadd.s32 $0xFFFFE003, lr  }
0x1b: {  	s9 =	sadd.s32 $0xFFFFFEF7, lr;
	s5 =	simm.s32 $0xFFFFFFFF;
	p2 =	slt.u32 s8, $0xFFFFF086  }
0x1c: {  	p1 =	slt.u32 s9, $0xF7A;
	s5 =	simm.s32 @!p2 $0x0  }
0x1d: {  	s5 =	simm.s32 @p1 $0x1;
	p0 =	seq.s32 s7, s2  }
0x1e: {  	s7 =	smul.u32 @!p0 $0xF7A, s2;
	p2 =	seq.s32 @!p0 s5, $0x0  }
0x1f: {  	s9 =	smul.u32 $0xF7A, s1;
	s8 =	simm.s32 @!p0 $0x1BF5;
	p2 =	por !p2, p0  }
0x20: {  	[sflag:s8] =	ssyncset.s32 @!p0 $0xFFFFF086;
	s6 =	sadd.s32 @!p0 s3, s7;
	s7 =	simm.s32 @!p0 $0x108  }
0x21: {  	s3 =	sadd.s32 s3, s9;
	s6 =	sadd.s32 @!p0 $0x88, s6;
	s7 =	simm.s32 @p2 $0x1082  }
0x22: {  	[simem:s7], [sflag:s8] =	dma.local @!p0 [hbm:s6], $0xF7A  }
0x23: {  	s9 =	sor.u32 $0xD0000000, s2;
	s6 =	simm.s32 $0x108;
	_ =	swait.ge @!p0 [sflag:s8], $0x0  }
0x24: {  	s3 =	sadd.s32 $0x88, s3;
	s6 =	simm.s32 @!p1 $0x1082;
	[sflag:s4] =	ssyncset.s32 $0xFFFFF086  }
0x25: {  	[simem:s6], [sflag:s4] =	dma.local [hbm:s3], $0xF7A  }
0x26: {  	[smem:$0x3F9F] =	sst s1;
	(tag) =	ssettag s2;
	_ =	strace s9  }
0x27: {  	s1 =	sld [smem:$0x3FAF]  }
0x28: {  	s2 =	sld [smem:$0x3FB0]  }
0x29: {  	s4 =	sld [smem:$0x3FB2]  }
0x2a: {  	p0 =	seq.s32 s5, $0x0;
	s5 =	sld [smem:$0x3FB3]  }
0x2b: {  	s6 =	sld [smem:$0x3FB4]  }
0x2c: {  	s7 =	sld [smem:$0x3FB5]  }
0x2d: {  	s3 =	simm.s32 $0x108;
	s8 =	sld [smem:$0x3FB6]  }
0x2e: {  	s3 =	simm.s32 @!p0 $0x1082;
	s9 =	sld [smem:$0x3FB7]  }
0x2f: {  	lr =	sadd.s32 s0, s3;
	s0 =	sld [smem:$0x3FAE]  }
0x30: {  	s3 =	sld [smem:$0x3FB1]  }
0x31: {  	[smem:$0x3FBA] =	sst s10  }
0x32: {  	s10 =	sld [smem:$0x3FB8];
	_ =	sdelay $0x3  }
0x33: {  	p0 =	seq.s32 s10, $0x1;
	s10 =	sld [smem:$0x3FBA];
	_ =	sdelay $0x3  }
0x34: {  	[smem:$0x3FBA] =	sst s10  }
0x35: {  	s10 =	sld [smem:$0x3FB9];
	_ =	sdelay $0x3  }
0x36: {  	p1 =	seq.s32 s10, $0x1;
	s10 =	sld [smem:$0x3FBA];
	_ =	sdelay $0x3  }
0x37: {  	[smem:$0x3FBA] =	sst s10  }
0x38: {  	s10 =	sld [smem:$0x3FBB]  }
0x39: {  	_ = 	snop;
	(pc) =	sbr.ind lr, $3  }
0x3a: {  	_ = 	snop  }
0x3b: {  	_ = 	snop  }
0x3c: {  	p2 =	seq.s32 s10, $0x1;
	s10 =	sld [smem:$0x3FBA]  }
0x3d: {  	_ =	shalt  }
0x3e: {  	_ =	shalt  }
0x3f: {  	_ =	shalt  }
0x40: {  	_ =	shalt  }
0x41: {  	_ =	shalt  }
0x42: {  	_ =	shalt  }
0x43: {  	_ =	shalt  }
0x44: {  	_ =	shalt  }
0x45: {  	_ =	shalt  }
0x46: {  	_ =	shalt  }
0x47: {  	_ =	shalt  }
0x48: {  	_ =	shalt  }
0x49: {  	_ =	shalt  }
0x4a: {  	_ =	shalt  }
0x4b: {  	_ =	shalt  }
0x4c: {  	_ =	shalt  }
0x4d: {  	_ =	shalt  }
0x4e: {  	_ =	shalt  }
0x4f: {  	_ =	shalt  }
0x50: {  	_ =	shalt  }
0x51: {  	_ =	shalt  }
0x52: {  	_ =	shalt  }
0x53: {  	_ =	shalt  }
0x54: {  	_ =	shalt  }
0x55: {  	_ =	shalt  }
0x56: {  	_ =	shalt  }
0x57: {  	_ =	shalt  }
0x58: {  	_ =	shalt  }
0x59: {  	_ =	shalt  }
0x5a: {  	_ =	shalt  }
0x5b: {  	_ =	shalt  }
0x5c: {  	_ =	shalt  }
0x5d: {  	_ =	shalt  }
0x5e: {  	_ =	shalt  }
0x5f: {  	_ =	shalt  }
0x60: {  	_ =	shalt  }
0x61: {  	_ =	shalt  }
0x62: {  	_ =	shalt  }
0x63: {  	_ =	shalt  }
0x64: {  	_ =	shalt  }
0x65: {  	_ =	shalt  }
0x66: {  	_ =	shalt  }
0x67: {  	_ =	shalt  }
0x68: {  	_ =	shalt  }
0x69: {  	_ =	shalt  }
0x6a: {  	_ =	shalt  }
0x6b: {  	_ =	shalt  }
0x6c: {  	_ =	shalt  }
0x6d: {  	_ =	shalt  }
0x6e: {  	_ =	shalt  }
0x6f: {  	_ =	shalt  }
0x70: {  	_ =	shalt  }
0x71: {  	_ =	shalt  }
0x72: {  	_ =	shalt  }
0x73: {  	_ =	shalt  }
0x74: {  	_ =	shalt  }
0x75: {  	_ =	shalt  }
0x76: {  	_ =	shalt  }
0x77: {  	_ =	shalt  }
0x78: {  	_ =	shalt  }
0x79: {  	_ =	shalt  }
0x7a: {  	_ =	shalt  }
0x7b: {  	_ =	shalt  }
0x7c: {  	_ =	shalt  }
0x7d: {  	_ =	shalt  }
0x7e: {  	_ =	shalt  }
0x7f: {  	_ =	shalt  }
0x80: {  	_ =	shalt  }
0x81: {  	_ =	shalt  }
0x82: {  	_ =	shalt  }
0x83: {  	_ =	shalt  }
0x84: {  	_ =	shalt  }
0x85: {  	_ =	shalt  }
0x86: {  	_ =	shalt  }
0x87: {  	_ =	shalt  }
.Lfunc_end0:
.L_simem_size_0:
called_computation_lowered:
.L_overlay_start_0:
0x88: {  	s2 =	sld [smem:$0x3FD9]  }
0x89: {  	s3 =	sld [smem:$0x3FFE];
	_ =	sdelay $0x1  }
0x8a: {  	s1 =	srdreg.scid  }
0x8b: {  	s0 =	sand.u32 $0x1, s1  }
0x8c: {  	s18 =	sshll.u32 s0, $0xA;
	s2 =	sadd.s32 s3, s2  }
0x8d: {  	s2 =	sadd.s32 s2, s18  }
0x8e: {  	[smem:$0x3FC6] =	sst s2  }
0x8f: {  	_ = 	snop  }
0x90: {  	s2 =	sld [smem:$0x3FC9]  }
0x91: {  	s19 =	sld [smem:$0x3FC8]  }
0x92: {  	s4 =	sld [smem:$0x3FD0];
	(tm) =	ssettm $0x1  }
0x93: {  	s5 =	sld [smem:$0x3FFB];
	_ =	sdelay $0x3  }
0x94: {  	_ =	strace s5  }
0x95: {  	s5 =	sld [smem:$0x3FFC];
	_ =	sdelay $0x3  }
0x96: {  	_ =	strace s5  }
0x97: {  	s5 =	sld [smem:$0x3FFD];
	_ =	sdelay $0x3  }
0x98: {  	_ =	strace s5  }
0x99: {  	_ =	strace $0x8FFFFFFF  }
0x9a: {  	s20 =	sld [smem:$0x3FDB];
	_ =	sdelay $0x1  }
0x9b: {  	s6 =	simm.s32 $_scs_section_size  }
0x9c: {  	s7 =	simm.s32 $_size__tile_overlayer_lowered;
	s8 =	simm.s32 $_tile_overlayer_lowered  }
0x9d: {  	s23 =	simm.s32 $0x1BFF;
	s22 =	sshll.u32 s8, $0x1;
	s5 =	sadd.s32 s6, s20  }
0x9e: {  	s9 =	simm.s32 $0x0;
	s21 =	sshll.u32 s7, $0x1;
	s7 =	sadd.s32 s22, s5  }
0x9f: {  	[timem:s9], [sflag:s23] =	dma.local [hbm:s7], s21  }
0xa0: {  	_ =	swait.ge [sflag:s23], s21  }
0xa1: {  	s6 =	ssub.s32 $0x0, s21;
	[sflag:s23] =	ssyncset.done $0x0  }
0xa2: {  	[sflag:s23] =	ssyncadd.s32 s6;
	_ =	sdelay $0x1  }
0xa3: {  	s24 =	simm.s32 $0x1B8B  }
0xa4: {  	_ =	swait.ge [sflag:s24], $0x1  }
0xa5: {  	[sflag:s24] =	ssyncset.done $0x0  }
0xa6: {  	s25 =	simm.s32 $0x1B8E;
	[sflag:s24] =	ssyncadd.s32 $0xFFFFFFFF  }
0xa7: {  	s26 =	simm.s32 $execute0_lowered;
	[smem:$0x3FD2] =	sst s25  }
0xa8: {  	s6 =	sshll.u32 s26, $0x1;
	_ =	strace $0x80000046;
	[dreg:$0x1] =	wrdreg $0xFFFFFFFF  }
0xa9: {  	s28 =	simm.s32 $_size_execute0_lowered;
	s5 =	sadd.s32 s5, s6;
	[dreg:$0x0] =	wrdreg $0x0  }
0xaa: {  	s6 =	sshll.u32 s28, $0x1;
	[dreg:$0x2] =	wrdreg s5  }
0xab: {  	[dreg:$0x3] =	wrdreg s6  }
0xac: {  	[dreg:$0x4] =	wrdreg $0xC0  }
0xad: {  	_ =	task [dreg:s9], $0x5FFFF  }
0xae: {  	[dreg:$0x1] =	wrdreg $0xFFFFFFFF  }
0xaf: {  	[dreg:$0x0] =	wrdreg $0x60  }
0xb0: {  	[dreg:$0x2] =	wrdreg s2  }
0xb1: {  	[dreg:$0x3] =	wrdreg s19  }
0xb2: {  	[dreg:$0x4] =	wrdreg s4  }
0xb3: {  	[dreg:$0x5] =	wrdreg $0x9  }
0xb4: {  	_ =	task.clear_ibuf [dreg:s9], $0x6FFFF;
	_ =	strace $0x90000046  }
0xb5: {  	s29 =	simm.s32 $0x9;
	_ =	strace $0x80000048  }
0xb6: {  	_ =	swait.ge [sflag:s29], $0x1  }
0xb7: {  	[sflag:s29] =	ssyncadd.s32 $0xFFFFFFFF  }
0xb8: {  	_ =	strace $0x90000048  }
0xb9: {  	_ =	sfence  }
0xba: {  	s30 =	sld [smem:$0x0];
	_ =	sdelay $0x2  }
0xbb: {  	s31 =	sshll.u32 s1, $0xD;
	s1 =	sshrl.u32 s1, $0x2  }
0xbc: {  	s3 =	sand.u32 $0x4000, s31;
	s1 =	sadd.s32 s1, s30  }
0xbd: {  	s0 =	sor.u32 s3, s0;
	s1 =	sshll.u32 s1, $0x11  }
0xbe: {  	s0 =	sor.u32 s1, s0  }
0xbf: {  	s0 =	sadd.s32 $0x8F2B, s0  }
0xc0: {  	[sflag:s0] =	ssyncadd.remote.s32 $0x1  }
0xc1: {  	_ =	sfence.sel $0xFFFF  }
0xc2: {  	[dreg:$0x0] =	wrdreg $0xFFFFFFFF;
	(pc) =	sbr.abs _section_cstart, $3  }
0xc3: {  	[dreg:$0x1] =	wrdreg $0xFFFFFFFF  }
0xc4: {  	_ =	task.clear_ibuf [dreg:s9], $0x2FFFF;
	_ =	strace $0x9FFFFFFF  }
0xc5: {  	(tm) =	ssettm $0x7FFFFFFF  }
tec
execute0_lowered:
.L_overlay_start_1:
0x0: {  	(tag) =	ssettag $0x1  }
0x1: {  	s21 =	rddreg [dreg:$0x1]  }
0x2: {  	s4 =	rddreg [dreg:$0x2];
	s5 =	simm.s32 $0x0  }
0x3: {  	[smem:$0x7FF] =	sst s5;
	s22 =	sadd.s32 $0x1000, s4  }
0x4: {  	s23 =	sadd.s32 $0x2000, s4;
	_ =	strace $0x80000047;
	[dreg:$0xd] =	wrdreg s22  }
0x5: {  	s24 =	sadd.s32 $0x3000, s4;
	[dreg:$0xe] =	wrdreg s23  }
0x6: {  	s0 =	srdreg.scid;
	s25 =	sadd.s32 $0x4000, s4;
	[dreg:$0xf] =	wrdreg s24  }
0x7: {  	s2 =	stileid.u32;
	s26 =	sadd.s32 $0x5000, s4;
	[dreg:$0x10] =	wrdreg s25  }
0x8: {  	s0 =	sand.u32 $0x1, s0;
	s28 =	sadd.s32 $0x6000, s4;
	[dreg:$0x11] =	wrdreg s26  }
0x9: {  	s2 =	sshll.u32 s2, $0x1;
	s30 =	sadd.s32 $0x7000, s4;
	[dreg:$0x12] =	wrdreg s28  }
0xa: {  	s1 =	ssub.s32 $0x2, s0;
	s0 =	sor.u32 s0, s2;
	[dreg:$0x13] =	wrdreg s30  }
0xb: {  	s2 =	sshll.u32 s0, $0x9;
	s14 =	sshll.u32 s0, $0xC;
	s0 =	sshll.u32 s0, $0xA  }
0xc: {  	[dreg:$0x4] =	wrdreg s0;
	s18 =	sor.u32 $0x680000, s14  }
0xd: {  	s19 =	sor.u32 $0x380000, s14;
	[dreg:$0xa] =	wrdreg s18  }
0xe: {  	s20 =	sor.u32 $0x6A0000, s14;
	[dreg:$0xb] =	wrdreg s19  }
0xf: {  	s15 =	sadd.s32 s2, s21;
	s10 =	sor.u32 $0x360000, s14;
	[dreg:$0xc] =	wrdreg s20  }
0x10: {  	s2 =	sadd.s32 $0x64000, s15;
	[dreg:$0x9] =	wrdreg s10  }
.Ltmp0:
0x11: {  	s16 =	sadd.s32 $0xC8000, s15;
	[dreg:$0x5] =	wrdreg s2;
	(pc) =	sbr.rel .LBB2_1-.Ltmp0, $4  }
0x12: {  	s3 =	sshrl.u32 s1, $0x1;
	s17 =	sadd.s32 $0x68000, s15;
	[dreg:$0x6] =	wrdreg s16  }
0x13: {  	s1 =	ssub.s32 s1, s3;
	s0 =	sadd.s32 $0xCC000, s15;
	[dreg:$0x7] =	wrdreg s17  }
0x14: {  	s31 =	smax.u32 s1, $0x1;
	[dreg:$0x8] =	wrdreg s0  }
0x15: {  	s29 =	simm.s32 $0x1;
	[dreg:$0x14] =	wrdreg s31;
	s2 =	simm.s32 $0x0  }
.LBB2_10:
0x16: {  	s0 =	simm.s32 $0x4  }
0x17: {  	_ =	swait.ge [sflag:s0], $0x400  }
0x18: {  	[sflag:s0] =	ssyncset.done $0x0  }
0x19: {  	s1 =	simm.s32 $0x3;
	[sflag:s0] =	ssyncadd.s32 $0xFFFFFC00  }
0x1a: {  	_ =	swait.ge [sflag:s1], $0x400  }
0x1b: {  	[sflag:s1] =	ssyncset.done $0x0  }
0x1c: {  	[sflag:s1] =	ssyncadd.s32 $0xFFFFFC00  }
0x1d: {  	_ =	swait.ge [sflag:s0], $0x400  }
0x1e: {  	[sflag:s0] =	ssyncset.done $0x0  }
0x1f: {  	[sflag:s0] =	ssyncadd.s32 $0xFFFFFC00  }
0x20: {  	_ =	swait.ge [sflag:s1], $0x400  }
0x21: {  	[sflag:s1] =	ssyncset.done $0x0  }
0x22: {  	[sflag:s1] =	ssyncadd.s32 $0xFFFFFC00  }
0x23: {  	_ =	swait.ge [sflag:s0], $0x400  }
0x24: {  	[sflag:s0] =	ssyncset.done $0x0  }
0x25: {  	[sflag:s0] =	ssyncadd.s32 $0xFFFFFC00  }
0x26: {  	_ =	swait.ge [sflag:s1], $0x400  }
0x27: {  	[sflag:s1] =	ssyncset.done $0x0  }
0x28: {  	[sflag:s1] =	ssyncadd.s32 $0xFFFFFC00  }
0x29: {  	_ =	swait.ge [sflag:s0], $0x400  }
0x2a: {  	[sflag:s0] =	ssyncset.done $0x0  }
0x2b: {  	[sflag:s0] =	ssyncadd.s32 $0xFFFFFC00  }
0x2c: {  	_ =	swait.ge [sflag:s1], $0x400  }
0x2d: {  	[sflag:s1] =	ssyncset.done $0x0  }
0x2e: {  	[sflag:s1] =	ssyncadd.s32 $0xFFFFFC00  }
0x2f: {  	_ =	swait.ge [sflag:s0], $0x400  }
0x30: {  	[sflag:s0] =	ssyncset.done $0x0  }
0x31: {  	[sflag:s0] =	ssyncadd.s32 $0xFFFFFC00  }
0x32: {  	_ =	swait.ge [sflag:s1], $0x400  }
0x33: {  	[sflag:s1] =	ssyncset.done $0x0  }
0x34: {  	[sflag:s1] =	ssyncadd.s32 $0xFFFFFC00  }
0x35: {  	_ =	swait.ge [sflag:s0], $0x400  }
0x36: {  	[sflag:s0] =	ssyncset.done $0x0  }
0x37: {  	[sflag:s0] =	ssyncadd.s32 $0xFFFFFC00  }
0x38: {  	_ =	swait.ge [sflag:s1], $0x400  }
0x39: {  	[sflag:s1] =	ssyncset.done $0x0  }
0x3a: {  	[sflag:s1] =	ssyncadd.s32 $0xFFFFFC00  }
0x3b: {  	_ =	swait.ge [sflag:s0], $0x400  }
0x3c: {  	[sflag:s0] =	ssyncset.done $0x0  }
0x3d: {  	[sflag:s0] =	ssyncadd.s32 $0xFFFFFC00  }
0x3e: {  	_ =	swait.ge [sflag:s1], $0x400  }
0x3f: {  	[sflag:s1] =	ssyncset.done $0x0  }
0x40: {  	[sflag:s1] =	ssyncadd.s32 $0xFFFFFC00  }
0x41: {  	_ =	swait.ge [sflag:s0], $0x400  }
0x42: {  	[sflag:s0] =	ssyncset.done $0x0  }
0x43: {  	[sflag:s0] =	ssyncadd.s32 $0xFFFFFC00  }
0x44: {  	_ =	swait.ge [sflag:s1], $0x400  }
0x45: {  	s2 =	rddreg [dreg:$0x15]  }
0x46: {  	s31 =	rddreg [dreg:$0x14];
	s2 =	sadd.s32 $0x1, s2  }
0x47: {  	p0 =	sne.s32 s2, s31  }
.Ltmp1:
0x48: {  	_ = 	snop;
	(pc) =	sbr.rel @!p0 .LBB2_11-.Ltmp1, $3  }
0x49: {  	_ =	sdelay $0x1  }
0x4a: {  	[sflag:s1] =	ssyncset.done $0x0  }
0x4b: {  	[sflag:s1] =	ssyncadd.s32 $0xFFFFFC00  }
.LBB2_1:
0x4c: {  	[dreg:$0x15] =	wrdreg s2  }
0x4d: {  	s0 =	rddreg [dreg:$0x0];
	s22 =	simm.s32 $0x5  }
0x4e: {  	[tilespmem:s5], [sflag:$0x5] =	stream.linear.gather [hbm4b:s0+s5], $0xA00, $0x38;
	[tilespmem:$0x8A00] =	vst v63  }
0x4f: {  	_ =	swait.ge [sflag:s22], $0xA00  }
0x50: {  	[sflag:s22] =	ssyncset.done $0x0  }
0x51: {  	s1 =	simm.s32 $0xA00;
	s23 =	rddreg [dreg:$0x5];
	[sflag:s22] =	ssyncadd.s32 $0xFFFFF600  }
0x52: {  	[tilespmem:s1], [sflag:$0x1] =	stream.linear.gather [hbm4b:s23+s5], $0x1000, $0x38;
	[tilespmem:$0x8A00] =	vst v63  }
0x53: {  	s25 =	simm.s32 $0x2A00;
	s24 =	rddreg [dreg:$0x6]  }
0x54: {  	[tilespmem:s25], [sflag:$0x1] =	stream.linear.gather [hbm4b:s24+s5], $0x1000, $0x38;
	[tilespmem:$0x8A00] =	vst v63  }
.Ltmp2:
0x55: {  	_ = 	snop;
	(pc) =	sbr.rel .LBB2_2-.Ltmp2, $4  }
0x56: {  	s28 =	simm.s32 $0x1A00;
	s26 =	rddreg [dreg:$0x7]  }
0x57: {  	[tilespmem:s28], [sflag:$0x2] =	stream.linear.gather [hbm4b:s26+s5], $0x1000, $0x38;
	[tilespmem:$0x8A00] =	vst v63  }
0x58: {  	s31 =	simm.s32 $0x3A00;
	s30 =	rddreg [dreg:$0x8];
	s23 =	simm.s32 $0x0  }
0x59: {  	[tilespmem:s31], [sflag:$0x2] =	stream.linear.gather [hbm4b:s30+s5], $0x1000, $0x38;
	[tilespmem:$0x8A00] =	vst v63  }
.LBB2_9:
0x5a: {  	s23 =	sadd.s32 $0x1, s23  }
0x5b: {  	p0 =	sne.s32 s23, $0xD  }
.Ltmp3:
0x5c: {  	_ = 	snop;
	(pc) =	sbr.rel @!p0 .LBB2_10-.Ltmp3, $1  }
0x5d: {  	_ =	sdelay $0x3  }
.LBB2_2:
0x5e: {  	_ =	swait.ge [sflag:s29], $0x1000  }
0x5f: {  	[sflag:s29] =	ssyncset.done $0x0  }
0x60: {  	[sflag:s29] =	ssyncadd.s32 $0xFFFFF000  }
0x61: {  	_ =	swait.ge [sflag:s29], $0x1000  }
0x62: {  	p0 =	seq.s32 s23, $0x0;
	[sflag:s29] =	ssyncset.done $0x0  }
0x63: {  	s0 =	simm.s32 @!p0 $0x3;
	[sflag:s29] =	ssyncadd.s32 $0xFFFFF000  }
0x64: {  	_ =	swait.ge @!p0 [sflag:s0], $0x400  }
0x65: {  	[sflag:s0] =	ssyncset.done @!p0 $0x0  }
0x66: {  	[sflag:s0] =	ssyncadd.s32 @!p0 $0xFFFFFC00  }
0x67: {  	_ =	swait.ge @!p0 [sflag:s0], $0x400  }
0x68: {  	[sflag:s0] =	ssyncset.done @!p0 $0x0  }
0x69: {  	[sflag:s0] =	ssyncadd.s32 @!p0 $0xFFFFFC00  }
0x6a: {  	_ =	swait.ge @!p0 [sflag:s0], $0x400  }
0x6b: {  	[sflag:s0] =	ssyncset.done @!p0 $0x0  }
0x6c: {  	[sflag:s0] =	ssyncadd.s32 @!p0 $0xFFFFFC00  }
0x6d: {  	_ =	swait.ge @!p0 [sflag:s0], $0x400  }
0x6e: {  	[sflag:s0] =	ssyncset.done @!p0 $0x0  }
0x6f: {  	[sflag:s0] =	ssyncadd.s32 @!p0 $0xFFFFFC00  }
0x70: {  	_ =	swait.ge @!p0 [sflag:s0], $0x400  }
0x71: {  	[sflag:s0] =	ssyncset.done @!p0 $0x0  }
0x72: {  	[sflag:s0] =	ssyncadd.s32 @!p0 $0xFFFFFC00  }
0x73: {  	_ =	swait.ge @!p0 [sflag:s0], $0x400  }
0x74: {  	[sflag:s0] =	ssyncset.done @!p0 $0x0  }
0x75: {  	[sflag:s0] =	ssyncadd.s32 @!p0 $0xFFFFFC00  }
0x76: {  	_ =	swait.ge @!p0 [sflag:s0], $0x400  }
0x77: {  	s1 =	simm.s32 $0x0;
	[sflag:s0] =	ssyncset.done @!p0 $0x0  }
0x78: {  	s2 =	simm.s32 $0x0;
	s3 =	sand.u32 $0x40, s1;
	[sflag:s0] =	ssyncadd.s32 @!p0 $0xFFFFFC00  }
0x79: {  	s1 =	sand.u32 $0xC00, s1;
	s2 =	sand.u32 $0xFFFFFF80, s2;
	_ =	swait.ge @!p0 [sflag:s0], $0x400  }
0x7a: {  	s2 =	sadd.s32 s2, s1;
	s4 =	sor.u32 $0x30, s3;
	[sflag:s0] =	ssyncset.done @!p0 $0x0  }
0x7b: {  	s17 =	sor.u32 s4, s2;
	[sflag:s0] =	ssyncadd.s32 @!p0 $0xFFFFFC00  }
0x7c: {  	v0 =	vld [tilespmem:s17+$0xA00];
	_ =	sdelay $0x1  }
0x7d: {  	s8 =	sor.u32 $0x10, s3;
	s9 =	sor.u32 s3, s2  }
0x7e: {  	s11 =	sor.u32 $0x20, s3;
	s12 =	sor.u32 s8, s2;
	v1 =	vld [tilespmem:s9+$0xA00]  }
0x7f: {  	s18 =	simm.s32 $0x0;
	s13 =	sor.u32 s11, s2;
	v2 =	vld [tilespmem:s12+$0xA00]  }
0x80: {  	s7 =	simm.s32 $0x200;
	s14 =	simm.s32 $0x40;
	s22 =	simm.s32 $0x10;
	v3 =	vld [tilespmem:s13+$0xA00]  }
0x81: {  	s15 =	sand.u32 $0xC00, s7;
	s1 =	sshrl.u32 s1, $0x2;
	s2 =	sand.u32 $0x3FFFFC00, s18  }
0x82: {  	s19 =	sand.u32 $0xFFFFFF80, s22;
	s1 =	sor.u32 s1, s2;
	s2 =	sand.u32 $0x40, s14  }
0x83: {  	s7 =	sadd.s32 s19, s15;
	s24 =	sor.u32 $0x30, s2;
	v0 =	vld.idx.msk [tilespmem:v0+s5+$0x0], $0xffff  }
0x84: {  	s26 =	sor.u32 s24, s7  }
0x85: {  	v7 =	vld [tilespmem:s26+$0xA00]  }
0x86: {  	s6 =	sadd.s32 $0x4A00, s1;
	v1 =	vld.idx.msk [tilespmem:v1+s5+$0x0], $0xffff  }
0x87: {  	s22 =	sor.u32 s4, s6;
	v2 =	vld.idx.msk [tilespmem:v2+s5+$0x0], $0xffff  }
0x88: {  	v3 =	vld.idx.msk [tilespmem:v3+s5+$0x0], $0xffff;
	[tilespmem:s22+$0x0] =	vst v0  }
0x89: {  	s25 =	sor.u32 $0x10, s2;
	s1 =	sor.u32 s2, s7;
	v4 =	vld [tilespmem:s17+$0x2A00]  }
0x8a: {  	s4 =	sor.u32 $0x20, s2;
	s28 =	sor.u32 s25, s7;
	v8 =	vld [tilespmem:s1+$0xA00]  }
0x8b: {  	s30 =	sor.u32 s3, s6;
	s7 =	sor.u32 s4, s7;
	v9 =	vld [tilespmem:s28+$0xA00]  }
0x8c: {  	s31 =	sor.u32 s8, s6;
	v6 =	vld [tilespmem:s7+$0xA00];
	[tilespmem:s30+$0x0] =	vst v1  }
0x8d: {  	s0 =	sor.u32 s11, s6;
	[tilespmem:s31+$0x0] =	vst v2;
	v1 =	vld [tilespmem:s9+$0x2A00]  }
0x8e: {  	[tilespmem:s0+$0x0] =	vst v3;
	v2 =	vld [tilespmem:s12+$0x2A00]  }
0x8f: {  	v0 =	vld [tilespmem:s13+$0x2A00]  }
0x90: {  	v7 =	vld.idx.msk [tilespmem:v7+s5+$0x0], $0xffff  }
0x91: {  	s20 =	simm.s32 $0x80;
	v5 =	vld.idx.msk [tilespmem:v4+s5+$0x0], $0xffff  }
0x92: {  	s8 =	simm.s32 $0x4;
	s11 =	sand.u32 $0x3FFFFC00, s20;
	v3 =	vld.idx.msk [tilespmem:v8+s5+$0x0], $0xffff  }
0x93: {  	s13 =	sshll.u32 s23, $0x1;
	s12 =	sshrl.u32 s15, $0x2;
	s9 =	simm.s32 $0x400;
	v4 =	vld.idx.msk [tilespmem:v9+s5+$0x0], $0xffff  }
.LBB2_3:
0x94: {  	s8 =	sadd.s32 $0x4, s8;
	s3 =	sor.u32 s12, s11;
	v8 =	vld.idx.msk [tilespmem:v6+s5+$0x0], $0xffff;
	s14 =	sadd.s32 $0x40, s14  }
0x95: {  	s6 =	sand.u32 $0x40, s14;
	s11 =	sshll.u32 s8, $0x2;
	s3 =	sadd.s32 $0x4A00, s3;
	v9 =	vld.idx.msk [tilespmem:v1+s5+$0x0], $0xffff  }
0x96: {  	s12 =	sand.u32 $0xC00, s9;
	s11 =	sand.u32 $0xFFFFFF80, s11;
	v10 =	vld.idx.msk [tilespmem:v2+s5+$0x0], $0xffff;
	[tilespmem:s22+$0x80] =	vst v5;
	s22 =	sor.u32 s24, s3  }
0x97: {  	s15 =	sor.u32 $0x10, s6;
	s24 =	sor.u32 $0x30, s6;
	s11 =	sadd.s32 s11, s12;
	[tilespmem:s22+$0x0] =	vst v7;
	v5 =	vld.idx.msk [tilespmem:v0+s5+$0x0], $0xffff  }
0x98: {  	s17 =	sor.u32 $0x20, s6;
	s16 =	sor.u32 s6, s11;
	v7 =	vld [tilespmem:s26+$0x2A00];
	s26 =	sor.u32 s24, s11  }
0x99: {  	s19 =	sor.u32 s2, s3;
	s18 =	sor.u32 s15, s11;
	s11 =	sor.u32 s17, s11;
	v11 =	vld [tilespmem:s26+$0xA00]  }
0x9a: {  	p1 =	slt.u32 s8, $0xFC;
	s20 =	sor.u32 s25, s3;
	s3 =	sor.u32 s4, s3;
	v12 =	vld [tilespmem:s16+$0xA00];
	[tilespmem:s19+$0x0] =	vst v3  }
0x9b: {  	s2 =	smov.u32 s6;
	s25 =	smov.u32 s15;
	s4 =	smov.u32 s17;
	v13 =	vld [tilespmem:s18+$0xA00];
	[tilespmem:s20+$0x0] =	vst v4  }
0x9c: {  	v6 =	vld [tilespmem:s11+$0xA00];
	[tilespmem:s3+$0x0] =	vst v8  }
0x9d: {  	v1 =	vld [tilespmem:s1+$0x2A00];
	[tilespmem:s30+$0x80] =	vst v9;
	s1 =	smov.u32 s16;
	s30 =	smov.u32 s19  }
0x9e: {  	v2 =	vld [tilespmem:s28+$0x2A00];
	[tilespmem:s31+$0x80] =	vst v10;
	s28 =	smov.u32 s18;
	s31 =	smov.u32 s20  }
.Ltmp4:
0x9f: {  	v0 =	vld [tilespmem:s7+$0x2A00];
	[tilespmem:s0+$0x80] =	vst v5;
	s7 =	smov.u32 s11;
	s0 =	smov.u32 s3;
	(pc) =	sbr.rel @p1 .LBB2_3-.Ltmp4, $4  }
0xa0: {  	v5 =	vld.idx.msk [tilespmem:v7+s5+$0x0], $0xffff  }
0xa1: {  	v7 =	vld.idx.msk [tilespmem:v11+s5+$0x0], $0xffff  }
0xa2: {  	s3 =	sshll.u32 s8, $0x5;
	v3 =	vld.idx.msk [tilespmem:v12+s5+$0x0], $0xffff  }
0xa3: {  	s9 =	sadd.s32 $0x200, s9;
	s12 =	sshrl.u32 s12, $0x2;
	s11 =	sand.u32 $0x3FFFFC00, s3;
	v4 =	vld.idx.msk [tilespmem:v13+s5+$0x0], $0xffff  }
0xa4: {  	_ =	sdelay $0x1  }
0xa5: {  	s3 =	sor.u32 s12, s11  }
0xa6: {  	s3 =	sadd.s32 $0x4A00, s3  }
0xa7: {  	v6 =	vld.idx.msk [tilespmem:v6+s5+$0x0], $0xffff;
	s6 =	sor.u32 s24, s3  }
0xa8: {  	s2 =	sor.u32 s2, s3;
	[tilespmem:s6+$0x0] =	vst v7  }
0xa9: {  	[tilespmem:s2+$0x0] =	vst v3;
	v7 =	vld [tilespmem:s26+$0x2A00]  }
0xaa: {  	s8 =	sor.u32 s25, s3;
	v3 =	vld [tilespmem:s1+$0x2A00]  }
0xab: {  	s3 =	sor.u32 s4, s3;
	[tilespmem:s8+$0x0] =	vst v4  }
0xac: {  	v4 =	vld [tilespmem:s28+$0x2A00];
	[tilespmem:s3+$0x0] =	vst v6  }
0xad: {  	v6 =	vld [tilespmem:s7+$0x2A00]  }
0xae: {  	v1 =	vld.idx.msk [tilespmem:v1+s5+$0x0], $0xffff  }
0xaf: {  	v2 =	vld.idx.msk [tilespmem:v2+s5+$0x0], $0xffff  }
0xb0: {  	v0 =	vld.idx.msk [tilespmem:v0+s5+$0x0], $0xffff  }
0xb1: {  	v7 =	vld.idx.msk [tilespmem:v7+s5+$0x0], $0xffff  }
0xb2: {  	[tilespmem:s22+$0x80] =	vst v5;
	v3 =	vld.idx.msk [tilespmem:v3+s5+$0x0], $0xffff  }
0xb3: {  	[tilespmem:s30+$0x80] =	vst v1  }
0xb4: {  	[tilespmem:s31+$0x80] =	vst v2;
	v62 =	vld.idx.msk [tilespmem:v4+s5+$0x0], $0xffff  }
0xb5: {  	[tilespmem:s0+$0x80] =	vst v0;
	v63 =	vld.idx.msk [tilespmem:v6+s5+$0x0], $0xffff  }
0xb6: {  	[tilespmem:s6+$0x80] =	vst v7  }
0xb7: {  	[tilespmem:s2+$0x80] =	vst v3  }
0xb8: {  	s7 =	sshll.u32 s23, $0x13;
	s9 =	rddreg [dreg:$0x4]  }
0xb9: {  	[tilespmem:s8+$0x80] =	vst v62;
	s0 =	sor.u32 s9, s7  }
0xba: {  	s11 =	rddreg [dreg:$0x2];
	[tilespmem:s3+$0x80] =	vst v63;
	s0 =	sshrl.u32 s0, $0x3  }
0xbb: {  	s12 =	simm.s32 $0x4A00;
	s14 =	rddreg [dreg:$0xd];
	s1 =	sadd.s32 s11, s0  }
0xbc: {  	[hbm4b:s1+s5] =	stream.linear.scatter [tilespmem:s12], [sflag:$0x3], $0x400, $0x38;
	[tilespmem:$0x8A00] =	vst v63  }
0xbd: {  	s15 =	simm.s32 $0x4E00;
	s16 =	rddreg [dreg:$0xe];
	s1 =	sadd.s32 s0, s14  }
0xbe: {  	[hbm4b:s1+s5] =	stream.linear.scatter [tilespmem:s15], [sflag:$0x3], $0x400, $0x38;
	[tilespmem:$0x8A00] =	vst v63  }
0xbf: {  	s17 =	simm.s32 $0x5200;
	s18 =	rddreg [dreg:$0xf];
	s1 =	sadd.s32 s0, s16  }
0xc0: {  	[hbm4b:s1+s5] =	stream.linear.scatter [tilespmem:s17], [sflag:$0x3], $0x400, $0x38;
	[tilespmem:$0x8A00] =	vst v63  }
0xc1: {  	s19 =	simm.s32 $0x5600;
	s20 =	rddreg [dreg:$0x10];
	s1 =	sadd.s32 s0, s18  }
0xc2: {  	[hbm4b:s1+s5] =	stream.linear.scatter [tilespmem:s19], [sflag:$0x3], $0x400, $0x38;
	[tilespmem:$0x8A00] =	vst v63  }
0xc3: {  	s22 =	simm.s32 $0x5A00;
	s24 =	rddreg [dreg:$0x11];
	s1 =	sadd.s32 s0, s20  }
0xc4: {  	[hbm4b:s1+s5] =	stream.linear.scatter [tilespmem:s22], [sflag:$0x3], $0x400, $0x38;
	[tilespmem:$0x8A00] =	vst v63  }
0xc5: {  	p1 =	seq.s32 s23, $0xC;
	s25 =	simm.s32 $0x5E00;
	s1 =	sadd.s32 s0, s24  }
0xc6: {  	[hbm4b:s1+s5] =	stream.linear.scatter [tilespmem:s25], [sflag:$0x3], $0x400, $0x38;
	[tilespmem:$0x8A00] =	vst v63  }
.Ltmp5:
0xc7: {  	s26 =	rddreg [dreg:$0x12];
	(pc) =	sbr.rel @p1 .LBB2_10-.Ltmp5, $4  }
0xc8: {  	s28 =	simm.s32 $0x6200;
	s30 =	rddreg [dreg:$0x13];
	s1 =	sadd.s32 s0, s26  }
0xc9: {  	[hbm4b:s1+s5] =	stream.linear.scatter [tilespmem:s28], [sflag:$0x3], $0x400, $0x38;
	[tilespmem:$0x8A00] =	vst v63  }
0xca: {  	s31 =	simm.s32 $0x6600;
	s0 =	sadd.s32 s0, s30  }
0xcb: {  	[hbm4b:s0+s5] =	stream.linear.scatter [tilespmem:s31], [sflag:$0x3], $0x400, $0x38;
	[tilespmem:$0x8A00] =	vst v63  }
0xcc: {  	s22 =	sshll.u32 s23, $0x12  }
0xcd: {  	s0 =	sadd.s32 s10, s22  }
0xce: {  	s13 =	sor.u32 $0x1, s13;
	s0 =	sshrl.u32 s0, $0x3  }
0xcf: {  	s1 =	simm.s32 $0xA00;
	p1 =	sgt.u32 s13, $0x18;
	s0 =	sadd.s32 s21, s0  }
0xd0: {  	[tilespmem:s1], [sflag:$0x1] =	stream.linear.gather [hbm4b:s0+s5], $0x1000, $0x38;
	[tilespmem:$0x8A00] =	vst v63  }
.Ltmp6:
0xd1: {  	s30 =	rddreg [dreg:$0xa];
	(pc) =	sbr.rel @p1 .LBB2_9-.Ltmp6, $4  }
0xd2: {  	s0 =	sadd.s32 s30, s22  }
0xd3: {  	s0 =	sshrl.u32 s0, $0x3  }
0xd4: {  	s31 =	simm.s32 $0x2A00;
	s0 =	sadd.s32 s21, s0  }
0xd5: {  	[tilespmem:s31], [sflag:$0x1] =	stream.linear.gather [hbm4b:s0+s5], $0x1000, $0x38;
	[tilespmem:$0x8A00] =	vst v63  }
0xd6: {  	s0 =	simm.s32 $0x2  }
0xd7: {  	_ =	swait.ge [sflag:s0], $0x1000  }
0xd8: {  	[sflag:s0] =	ssyncset.done $0x0  }
0xd9: {  	[sflag:s0] =	ssyncadd.s32 $0xFFFFF000  }
0xda: {  	_ =	swait.ge [sflag:s0], $0x1000  }
0xdb: {  	[sflag:s0] =	ssyncset.done $0x0  }
0xdc: {  	[sflag:s0] =	ssyncadd.s32 $0xFFFFF000;
	s0 =	simm.s32 @!p0 $0x4  }
0xdd: {  	_ =	swait.ge @!p0 [sflag:s0], $0x400  }
0xde: {  	[sflag:s0] =	ssyncset.done @!p0 $0x0  }
0xdf: {  	[sflag:s0] =	ssyncadd.s32 @!p0 $0xFFFFFC00  }
0xe0: {  	_ =	swait.ge @!p0 [sflag:s0], $0x400  }
0xe1: {  	[sflag:s0] =	ssyncset.done @!p0 $0x0  }
0xe2: {  	[sflag:s0] =	ssyncadd.s32 @!p0 $0xFFFFFC00  }
0xe3: {  	_ =	swait.ge @!p0 [sflag:s0], $0x400  }
0xe4: {  	[sflag:s0] =	ssyncset.done @!p0 $0x0  }
0xe5: {  	[sflag:s0] =	ssyncadd.s32 @!p0 $0xFFFFFC00  }
0xe6: {  	_ =	swait.ge @!p0 [sflag:s0], $0x400  }
0xe7: {  	[sflag:s0] =	ssyncset.done @!p0 $0x0  }
0xe8: {  	[sflag:s0] =	ssyncadd.s32 @!p0 $0xFFFFFC00  }
0xe9: {  	_ =	swait.ge @!p0 [sflag:s0], $0x400  }
0xea: {  	[sflag:s0] =	ssyncset.done @!p0 $0x0  }
0xeb: {  	[sflag:s0] =	ssyncadd.s32 @!p0 $0xFFFFFC00  }
0xec: {  	_ =	swait.ge @!p0 [sflag:s0], $0x400  }
0xed: {  	[sflag:s0] =	ssyncset.done @!p0 $0x0  }
0xee: {  	[sflag:s0] =	ssyncadd.s32 @!p0 $0xFFFFFC00  }
0xef: {  	_ =	swait.ge @!p0 [sflag:s0], $0x400  }
0xf0: {  	s1 =	simm.s32 $0x0;
	[sflag:s0] =	ssyncset.done @!p0 $0x0  }
0xf1: {  	s2 =	simm.s32 $0x0;
	s3 =	sand.u32 $0x40, s1;
	[sflag:s0] =	ssyncadd.s32 @!p0 $0xFFFFFC00  }
0xf2: {  	s1 =	sand.u32 $0xC00, s1;
	s2 =	sand.u32 $0xFFFFFF80, s2;
	_ =	swait.ge @!p0 [sflag:s0], $0x400  }
0xf3: {  	s2 =	sadd.s32 s2, s1;
	s4 =	sor.u32 $0x30, s3;
	[sflag:s0] =	ssyncset.done @!p0 $0x0  }
0xf4: {  	s18 =	sor.u32 s4, s2;
	[sflag:s0] =	ssyncadd.s32 @!p0 $0xFFFFFC00  }
0xf5: {  	v0 =	vld [tilespmem:s18+$0x1A00];
	_ =	sdelay $0x1  }
0xf6: {  	s6 =	sor.u32 $0x10, s3;
	s9 =	sor.u32 s3, s2  }
0xf7: {  	s11 =	sor.u32 $0x20, s3;
	s12 =	sor.u32 s6, s2;
	v1 =	vld [tilespmem:s9+$0x1A00]  }
0xf8: {  	s19 =	simm.s32 $0x0;
	s15 =	sor.u32 s11, s2;
	v2 =	vld [tilespmem:s12+$0x1A00]  }
0xf9: {  	s7 =	simm.s32 $0x200;
	s30 =	simm.s32 $0x40;
	s8 =	simm.s32 $0x10;
	v3 =	vld [tilespmem:s15+$0x1A00]  }
0xfa: {  	s16 =	sand.u32 $0xC00, s7;
	s1 =	sshrl.u32 s1, $0x2;
	s2 =	sand.u32 $0x3FFFFC00, s19  }
0xfb: {  	s20 =	sand.u32 $0xFFFFFF80, s8;
	s2 =	sor.u32 s1, s2;
	s1 =	sand.u32 $0x40, s30  }
0xfc: {  	s17 =	sadd.s32 s20, s16;
	s25 =	sor.u32 $0x30, s1;
	v0 =	vld.idx.msk [tilespmem:v0+s5+$0x0], $0xffff  }
0xfd: {  	s26 =	sor.u32 s25, s17  }
0xfe: {  	v7 =	vld [tilespmem:s26+$0x1A00]  }
0xff: {  	s2 =	sadd.s32 $0x6A00, s2;
	v1 =	vld.idx.msk [tilespmem:v1+s5+$0x0], $0xffff  }
0x100: {  	s14 =	sor.u32 s4, s2;
	v2 =	vld.idx.msk [tilespmem:v2+s5+$0x0], $0xffff  }
0x101: {  	v3 =	vld.idx.msk [tilespmem:v3+s5+$0x0], $0xffff;
	[tilespmem:s14+$0x0] =	vst v0  }
0x102: {  	s7 =	sor.u32 s1, s17;
	s4 =	sor.u32 $0x10, s1;
	v4 =	vld [tilespmem:s18+$0x3A00]  }
0x103: {  	s8 =	sor.u32 $0x20, s1;
	s28 =	sor.u32 s4, s17;
	v8 =	vld [tilespmem:s7+$0x1A00]  }
0x104: {  	s24 =	sor.u32 s8, s17;
	s0 =	sor.u32 s3, s2;
	v9 =	vld [tilespmem:s28+$0x1A00]  }
0x105: {  	s31 =	sor.u32 s6, s2;
	v6 =	vld [tilespmem:s24+$0x1A00];
	[tilespmem:s0+$0x0] =	vst v1  }
0x106: {  	s2 =	sor.u32 s11, s2;
	[tilespmem:s31+$0x0] =	vst v2;
	v1 =	vld [tilespmem:s9+$0x3A00]  }
0x107: {  	[tilespmem:s2+$0x0] =	vst v3;
	v2 =	vld [tilespmem:s12+$0x3A00]  }
0x108: {  	v0 =	vld [tilespmem:s15+$0x3A00]  }
0x109: {  	v7 =	vld.idx.msk [tilespmem:v7+s5+$0x0], $0xffff  }
0x10a: {  	v5 =	vld.idx.msk [tilespmem:v4+s5+$0x0], $0xffff  }
0x10b: {  	s10 =	smov.u32 s21;
	s21 =	simm.s32 $0x80;
	s3 =	sshrl.u32 s16, $0x2;
	v3 =	vld.idx.msk [tilespmem:v8+s5+$0x0], $0xffff  }
0x10c: {  	s11 =	simm.s32 $0x400;
	s9 =	simm.s32 $0x4;
	s12 =	sand.u32 $0x3FFFFC00, s21;
	v4 =	vld.idx.msk [tilespmem:v9+s5+$0x0], $0xffff  }
.LBB2_7:
0x10d: {  	s9 =	sadd.s32 $0x4, s9;
	s3 =	sor.u32 s3, s12;
	v8 =	vld.idx.msk [tilespmem:v6+s5+$0x0], $0xffff;
	s30 =	sadd.s32 $0x40, s30  }
0x10e: {  	s6 =	sand.u32 $0x40, s30;
	s12 =	sshll.u32 s9, $0x2;
	s3 =	sadd.s32 $0x6A00, s3;
	v9 =	vld.idx.msk [tilespmem:v1+s5+$0x0], $0xffff  }
0x10f: {  	s15 =	sand.u32 $0xC00, s11;
	s12 =	sand.u32 $0xFFFFFF80, s12;
	v10 =	vld.idx.msk [tilespmem:v2+s5+$0x0], $0xffff;
	[tilespmem:s14+$0x80] =	vst v5;
	s14 =	sor.u32 s25, s3  }
0x110: {  	s16 =	sor.u32 $0x10, s6;
	s25 =	sor.u32 $0x30, s6;
	s12 =	sadd.s32 s12, s15;
	[tilespmem:s14+$0x0] =	vst v7;
	v5 =	vld.idx.msk [tilespmem:v0+s5+$0x0], $0xffff  }
0x111: {  	s18 =	sor.u32 $0x20, s6;
	s17 =	sor.u32 s6, s12;
	v7 =	vld [tilespmem:s26+$0x3A00];
	s26 =	sor.u32 s25, s12  }
0x112: {  	s20 =	sor.u32 s1, s3;
	s19 =	sor.u32 s16, s12;
	s12 =	sor.u32 s18, s12;
	v11 =	vld [tilespmem:s26+$0x1A00]  }
0x113: {  	p0 =	slt.u32 s9, $0xFC;
	s21 =	sor.u32 s4, s3;
	s3 =	sor.u32 s8, s3;
	v12 =	vld [tilespmem:s17+$0x1A00];
	[tilespmem:s20+$0x0] =	vst v3  }
0x114: {  	s1 =	smov.u32 s6;
	s4 =	smov.u32 s16;
	s8 =	smov.u32 s18;
	v13 =	vld [tilespmem:s19+$0x1A00];
	[tilespmem:s21+$0x0] =	vst v4  }
0x115: {  	v6 =	vld [tilespmem:s12+$0x1A00];
	[tilespmem:s3+$0x0] =	vst v8  }
0x116: {  	v1 =	vld [tilespmem:s7+$0x3A00];
	[tilespmem:s0+$0x80] =	vst v9;
	s7 =	smov.u32 s17;
	s0 =	smov.u32 s20  }
0x117: {  	v2 =	vld [tilespmem:s28+$0x3A00];
	[tilespmem:s31+$0x80] =	vst v10;
	s28 =	smov.u32 s19;
	s31 =	smov.u32 s21  }
.Ltmp7:
0x118: {  	v0 =	vld [tilespmem:s24+$0x3A00];
	[tilespmem:s2+$0x80] =	vst v5;
	s24 =	smov.u32 s12;
	s2 =	smov.u32 s3;
	(pc) =	sbr.rel @p0 .LBB2_7-.Ltmp7, $4  }
0x119: {  	v5 =	vld.idx.msk [tilespmem:v7+s5+$0x0], $0xffff  }
0x11a: {  	v7 =	vld.idx.msk [tilespmem:v11+s5+$0x0], $0xffff  }
0x11b: {  	s3 =	sshll.u32 s9, $0x5;
	v3 =	vld.idx.msk [tilespmem:v12+s5+$0x0], $0xffff  }
0x11c: {  	s11 =	sadd.s32 $0x200, s11;
	s12 =	sand.u32 $0x3FFFFC00, s3;
	s3 =	sshrl.u32 s15, $0x2;
	v4 =	vld.idx.msk [tilespmem:v13+s5+$0x0], $0xffff  }
0x11d: {  	_ =	sdelay $0x1  }
0x11e: {  	s3 =	sor.u32 s3, s12  }
0x11f: {  	s3 =	sadd.s32 $0x6A00, s3  }
0x120: {  	v6 =	vld.idx.msk [tilespmem:v6+s5+$0x0], $0xffff;
	s6 =	sor.u32 s25, s3  }
0x121: {  	s1 =	sor.u32 s1, s3;
	[tilespmem:s6+$0x0] =	vst v7  }
0x122: {  	[tilespmem:s1+$0x0] =	vst v3;
	v7 =	vld [tilespmem:s26+$0x3A00]  }
0x123: {  	s4 =	sor.u32 s4, s3;
	v3 =	vld [tilespmem:s7+$0x3A00]  }
0x124: {  	s3 =	sor.u32 s8, s3;
	[tilespmem:s4+$0x0] =	vst v4  }
0x125: {  	v4 =	vld [tilespmem:s28+$0x3A00];
	[tilespmem:s3+$0x0] =	vst v6  }
0x126: {  	v6 =	vld [tilespmem:s24+$0x3A00]  }
0x127: {  	v1 =	vld.idx.msk [tilespmem:v1+s5+$0x0], $0xffff  }
0x128: {  	v2 =	vld.idx.msk [tilespmem:v2+s5+$0x0], $0xffff  }
0x129: {  	v0 =	vld.idx.msk [tilespmem:v0+s5+$0x0], $0xffff  }
0x12a: {  	v7 =	vld.idx.msk [tilespmem:v7+s5+$0x0], $0xffff  }
0x12b: {  	[tilespmem:s14+$0x80] =	vst v5;
	v3 =	vld.idx.msk [tilespmem:v3+s5+$0x0], $0xffff  }
0x12c: {  	[tilespmem:s0+$0x80] =	vst v1  }
0x12d: {  	[tilespmem:s31+$0x80] =	vst v2;
	v62 =	vld.idx.msk [tilespmem:v4+s5+$0x0], $0xffff  }
0x12e: {  	[tilespmem:s2+$0x80] =	vst v0;
	v63 =	vld.idx.msk [tilespmem:v6+s5+$0x0], $0xffff  }
0x12f: {  	[tilespmem:s6+$0x80] =	vst v7  }
0x130: {  	[tilespmem:s1+$0x80] =	vst v3  }
0x131: {  	s11 =	sshll.u32 s13, $0x12;
	s1 =	rddreg [dreg:$0x4]  }
0x132: {  	[tilespmem:s4+$0x80] =	vst v62;
	s0 =	sor.u32 s1, s11  }
0x133: {  	s12 =	rddreg [dreg:$0x2];
	[tilespmem:s3+$0x80] =	vst v63;
	s0 =	sshrl.u32 s0, $0x3  }
0x134: {  	s13 =	simm.s32 $0x6A00;
	s14 =	rddreg [dreg:$0xd];
	s1 =	sadd.s32 s12, s0  }
0x135: {  	[hbm4b:s1+s5] =	stream.linear.scatter [tilespmem:s13], [sflag:$0x4], $0x400, $0x38;
	[tilespmem:$0x8A00] =	vst v63  }
0x136: {  	s15 =	simm.s32 $0x6E00;
	s16 =	rddreg [dreg:$0xe];
	s1 =	sadd.s32 s0, s14  }
0x137: {  	[hbm4b:s1+s5] =	stream.linear.scatter [tilespmem:s15], [sflag:$0x4], $0x400, $0x38;
	[tilespmem:$0x8A00] =	vst v63  }
0x138: {  	s17 =	simm.s32 $0x7200;
	s18 =	rddreg [dreg:$0xf];
	s1 =	sadd.s32 s0, s16  }
0x139: {  	[hbm4b:s1+s5] =	stream.linear.scatter [tilespmem:s17], [sflag:$0x4], $0x400, $0x38;
	[tilespmem:$0x8A00] =	vst v63  }
0x13a: {  	s19 =	simm.s32 $0x7600;
	s20 =	rddreg [dreg:$0x10];
	s1 =	sadd.s32 s0, s18  }
0x13b: {  	[hbm4b:s1+s5] =	stream.linear.scatter [tilespmem:s19], [sflag:$0x4], $0x400, $0x38;
	[tilespmem:$0x8A00] =	vst v63  }
0x13c: {  	s21 =	simm.s32 $0x7A00;
	s24 =	rddreg [dreg:$0x11];
	s1 =	sadd.s32 s0, s20  }
0x13d: {  	[hbm4b:s1+s5] =	stream.linear.scatter [tilespmem:s21], [sflag:$0x4], $0x400, $0x38;
	[tilespmem:$0x8A00] =	vst v63  }
0x13e: {  	s25 =	simm.s32 $0x7E00;
	s26 =	rddreg [dreg:$0x12];
	s1 =	sadd.s32 s0, s24  }
0x13f: {  	[hbm4b:s1+s5] =	stream.linear.scatter [tilespmem:s25], [sflag:$0x4], $0x400, $0x38;
	[tilespmem:$0x8A00] =	vst v63  }
0x140: {  	s28 =	simm.s32 $0x8200;
	s30 =	rddreg [dreg:$0x13];
	s1 =	sadd.s32 s0, s26  }
0x141: {  	[hbm4b:s1+s5] =	stream.linear.scatter [tilespmem:s28], [sflag:$0x4], $0x400, $0x38;
	[tilespmem:$0x8A00] =	vst v63  }
0x142: {  	s31 =	simm.s32 $0x8600;
	s0 =	sadd.s32 s0, s30  }
0x143: {  	[hbm4b:s0+s5] =	stream.linear.scatter [tilespmem:s31], [sflag:$0x4], $0x400, $0x38;
	[tilespmem:$0x8A00] =	vst v63  }
0x144: {  	p0 =	sgt.u32 s23, $0xA;
	s0 =	rddreg [dreg:$0xb]  }
0x145: {  	s0 =	sadd.s32 @!p0 s0, s22  }
0x146: {  	s0 =	sshrl.u32 @!p0 s0, $0x3  }
0x147: {  	s2 =	simm.s32 @!p0 $0x1A00;
	s1 =	simm.s32 @!p0 $0x0;
	s0 =	sadd.s32 @!p0 s10, s0  }
0x148: {  	[tilespmem:s2], [sflag:$0x2] =	stream.linear.gather @!p0 [hbm4b:s0+s1], $0x1000, $0x38;
	[tilespmem:$0x8A00] =	vst v63  }
.Ltmp8:
0x149: {  	s0 =	rddreg [dreg:$0xc];
	(pc) =	sbr.rel .LBB2_9-.Ltmp8, $4  }
0x14a: {  	s0 =	sadd.s32 @!p0 s0, s22  }
0x14b: {  	s21 =	smov.u32 s10;
	s0 =	sshrl.u32 @!p0 s0, $0x3  }
0x14c: {  	s2 =	simm.s32 @!p0 $0x3A00;
	s0 =	sadd.s32 @!p0 s10, s0;
	s10 =	rddreg [dreg:$0x9]  }
0x14d: {  	[tilespmem:s2], [sflag:$0x2] =	stream.linear.gather @!p0 [hbm4b:s0+s1], $0x1000, $0x38;
	[tilespmem:$0x8A00] =	vst v63  }
.LBB2_11:
0x14e: {  	_ =	sfence.sel $0x180000  }
0x14f: {  	[bflag:$0x0] =	sbarrier.arrive $0xFFFF  }
0x150: {  	_ =	strace $0x90000047  }
0x151: {  	s0 =	stileid.u32;
	[bflag:$0x2] =	sbarrier.arrive $0xFFFF  }
0x152: {  	p0 =	sne.s32 s0, $0x0;
	s0 =	rddreg [dreg:$0x3]  }
0x153: {  	s0 =	sadd.s32 @!p0 $0x100000, s0  }
0x154: {  	[sflag:s0] =	ssyncadd.tile.s32 @!p0 $0x1;
	_ =	shalt  }
.Lfunc_end2:
_tile_overlayer_lowered:
.L_overlay_start_2:
0x155: {  	(tag) =	ssettag $0x2  }
0x156: {  	s0 =	rddreg [dreg:$0x0];
	s2 =	stileid.u32  }
0x157: {  	s1 =	rddreg [dreg:$0x1];
	p0 =	sne.s32 s2, $0x0  }
0x158: {  	s3 =	rddreg [dreg:$0x2];
	[bflag:$0x3] =	sbarrier.arrive $0xFFFF;
	s2 =	simm.s32 @!p0 $0x1C05  }
0x159: {  	[timem:s3], [sflag:s2] =	dma.local @!p0 [hbm:s0], s1  }
0x15a: {  	s0 =	simm.s32 @!p0 $0x5  }
0x15b: {  	_ =	swait.ge @!p0 [sflag:s0], s1  }
0x15c: {  	s1 =	ssub.s32 @!p0 $0x0, s1;
	[sflag:s0] =	ssyncset.done @!p0 $0x0  }
0x15d: {  	[sflag:s0] =	ssyncadd.s32 @!p0 s1  }
0x15e: {  	[bflag:$0x3] =	sbarrier.arrive $0xFFFF  }
0x15f: {  	_ =	shalt  }

</sc_bundles>
